<compile_context>
chip_gen: v7x
topology: tpu7x:2x2x1
jax: 0.10.2.dev20260603
libtpu: 0.0.44.dev20260713+nightly
codegen_flags: <defaults>
</compile_context>

<pallas_src>
import functools

import jax
import jax.numpy as jnp
from jax import lax
from jax.experimental import pallas as pl
from jax.experimental.pallas import tpu as pltpu
from jax.experimental.pallas import tpu_sc as plsc

B = 16384
A = 5
H = 64
NC = 2
NS = 16
NW = NC * NS
BPW = B // NW
IDX_ROWS = BPW // 128
L = 16


def _bias_lookup_body(uid_hbm, iid_hbm, utab_hbm, itab_hbm, out_hbm,
                      uid_v, iid_v, ub_v, ib_v, sem_u, sem_i):
    wid = lax.axis_index("s") * NC + lax.axis_index("c")
    rbase = wid * IDX_ROWS
    pltpu.sync_copy(uid_hbm.at[pl.ds(rbase, IDX_ROWS)], uid_v)
    pltpu.sync_copy(iid_hbm.at[pl.ds(rbase, IDX_ROWS)], iid_v)
    utab = utab_hbm.at[0]
    itab = itab_hbm.at[0]
    copies = []
    for r in range(IDX_ROWS):
        copies.append(pltpu.async_copy(utab.at[uid_v.at[r]], ub_v.at[r], sem_u))
        copies.append(pltpu.async_copy(itab.at[iid_v.at[r]], ib_v.at[r], sem_i))
    for c in copies:
        c.wait()
    for r in range(IDX_ROWS):
        for k in range(128 // L):
            sl = pl.ds(k * L, L)
            ub_v[r, sl] = ub_v[r, sl] + ib_v[r, sl]
    pltpu.sync_copy(ub_v, out_hbm.at[pl.ds(rbase, IDX_ROWS)])


@functools.lru_cache(maxsize=1)
def _bias_lookup():
    mesh = plsc.VectorSubcoreMesh(core_axis_name="c", subcore_axis_name="s")
    return pl.kernel(
        _bias_lookup_body,
        out_type=jax.ShapeDtypeStruct((NW * IDX_ROWS, 128), jnp.float32),
        mesh=mesh,
        scratch_types=[
            pltpu.VMEM((IDX_ROWS, 128), jnp.int32),
            pltpu.VMEM((IDX_ROWS, 128), jnp.int32),
            pltpu.VMEM((IDX_ROWS, 128), jnp.float32),
            pltpu.VMEM((IDX_ROWS, 128), jnp.float32),
            pltpu.SemaphoreType.DMA,
            pltpu.SemaphoreType.DMA,
        ],
        compiler_params=pltpu.CompilerParams(
            use_tc_tiling_on_sc=False,
            allow_input_fusion=[False, False, True, True]),
    )


def _dense_body(u_ref, i_ref, uw_ref, iw_ref, o_ref):
    acc = None
    for a in range(A):
        sl = pl.ds(a * H, H)
        pa = u_ref[:, sl] * i_ref[:, sl]
        term = jnp.sum(pa, axis=1, keepdims=True) * (
            uw_ref[:, a:a + 1] * iw_ref[:, a:a + 1])
        acc = term if acc is None else acc + term
    o_ref[...] = acc


def kernel(userAspRep, itemAspRep, userAspImpt, itemAspImpt, batch_uid,
           batch_iid, user_offset_table, item_offset_table, global_offset):
    bias = _bias_lookup()(
        batch_uid.astype(jnp.int32).reshape(B // 128, 128),
        batch_iid.astype(jnp.int32).reshape(B // 128, 128),
        user_offset_table.T,
        item_offset_table.T)

    u2 = userAspRep.reshape(B, A * H)
    i2 = itemAspRep.reshape(B, A * H)
    BB = 2048
    grid = B // BB
    dense = pl.pallas_call(
        _dense_body,
        grid=(grid,),
        in_specs=[
            pl.BlockSpec((BB, A * H), lambda b: (b, 0)),
            pl.BlockSpec((BB, A * H), lambda b: (b, 0)),
            pl.BlockSpec((BB, A), lambda b: (b, 0)),
            pl.BlockSpec((BB, A), lambda b: (b, 0)),
        ],
        out_specs=pl.BlockSpec((BB, 1), lambda b: (b, 0)),
        out_shape=jax.ShapeDtypeStruct((B, 1), jnp.float32),
        compiler_params=pltpu.CompilerParams(
            allow_input_fusion=[True, True, False, False]),
    )(u2, i2, userAspImpt, itemAspImpt)

    return dense + bias.reshape(B, 1) + global_offset

# --- scband reference (transcript-rebuilt; emitter-appended) ---
"""Pipeline reference for scband-anr-rating-pred-7499012899663 (READ-ONLY COPY).

The authoritative reference and input builder live on the scoring server;
editing this copy changes nothing except your own understanding.
"""

import jax, jax.numpy as jnp
import numpy as np

NUM_USERS = 1000000
NUM_ITEMS = 1000000
BATCH = 16384
NUM_ASPECTS = 5
H1 = 64


def setup_inputs(seed: int = 0) -> dict:
    key = jax.random.key(seed)
    k1, k2, k3, k4, k5, k6, k7, k8 = jax.random.split(key, 8)
    userAspRep = jax.random.normal(k1, (BATCH, NUM_ASPECTS, H1), dtype=jnp.float32)
    itemAspRep = jax.random.normal(k2, (BATCH, NUM_ASPECTS, H1), dtype=jnp.float32)
    userAspImpt = jax.random.uniform(k3, (BATCH, NUM_ASPECTS), dtype=jnp.float32)
    itemAspImpt = jax.random.uniform(k4, (BATCH, NUM_ASPECTS), dtype=jnp.float32)
    batch_uid = jax.random.randint(k5, (BATCH,), 0, NUM_USERS, dtype=jnp.int64 if jax.config.jax_enable_x64 else jnp.int32)
    batch_iid = jax.random.randint(k6, (BATCH,), 0, NUM_ITEMS, dtype=jnp.int64 if jax.config.jax_enable_x64 else jnp.int32)
    # learned parameters (module initializes to 0; use small random so grads/lookups are nontrivial)
    user_offset_table = jax.random.normal(k7, (NUM_USERS, 1), dtype=jnp.float32) * 0.01
    item_offset_table = jax.random.normal(k8, (NUM_ITEMS, 1), dtype=jnp.float32) * 0.01
    global_offset = jnp.zeros((1,), dtype=jnp.float32)
    return {
        "userAspRep": userAspRep,
        "itemAspRep": itemAspRep,
        "userAspImpt": userAspImpt,
        "itemAspImpt": itemAspImpt,
        "batch_uid": batch_uid,
        "batch_iid": batch_iid,
        "user_offset_table": user_offset_table,
        "item_offset_table": item_offset_table,
        "global_offset": global_offset,
    }


def reference(userAspRep, itemAspRep, userAspImpt, itemAspImpt, batch_uid, batch_iid, user_offset_table, item_offset_table, global_offset):
    # embedding lookups (SparseCore gathers)
    batch_userOffset = jnp.take(user_offset_table, batch_uid, axis=0)  # [B, 1]
    batch_itemOffset = jnp.take(item_offset_table, batch_iid, axis=0)  # [B, 1]
    # per-aspect inner product: equivalent to the torch loop over aspects
    asp_rating = jnp.sum(userAspRep * itemAspRep, axis=2)  # [B, num_aspects]
    rating_pred = userAspImpt * itemAspImpt * asp_rating   # [B, num_aspects]
    rating_pred = jnp.sum(rating_pred, axis=1, keepdims=True)  # [B, 1]
    rating_pred = rating_pred + batch_userOffset + batch_itemOffset
    rating_pred = rating_pred + global_offset
    return rating_pred

if __name__ == "__main__":
    import jax
    _d = setup_inputs()
    print(jax.jit(kernel)(*tuple(_d.values())))

</pallas_src>

<mosaic_0001>
#map = affine_map<(d0, d1) -> (0, 0)>
module attributes {stable_mosaic.version = 14 : i64} {
  func.func @_bias_lookup_body(%arg0: i32, %arg1: i32, %arg2: memref<128x128xi32, #tpu.memory_space<hbm>>, %arg3: memref<128x128xi32, #tpu.memory_space<hbm>>, %arg4: memref<1x1000000xf32, #tpu.memory_space<hbm>>, %arg5: memref<1x1000000xf32, #tpu.memory_space<hbm>>, %arg6: memref<128x128xf32, #tpu.memory_space<hbm>>, %arg7: memref<4x128xi32, #tpu.memory_space<vmem>>, %arg8: memref<4x128xi32, #tpu.memory_space<vmem>>, %arg9: memref<4x128xf32, #tpu.memory_space<vmem>>, %arg10: memref<4x128xf32, #tpu.memory_space<vmem>>, %arg11: memref<!tpu.dma_semaphore, #tpu.memory_space<semaphore_mem>>, %arg12: memref<!tpu.dma_semaphore, #tpu.memory_space<semaphore_mem>>) attributes {dimension_semantics = [#tpu.dimension_semantics<core_parallel>, #tpu.dimension_semantics<subcore_parallel>], iteration_bounds = array<i64: 2, 16>, scalar_prefetch = 0 : i64, scratch_operands = 6 : i64, tpu.core_type = #tpu.core_type<sc_vector_subcore>, window_params = [{transform_indices = #map}, {transform_indices = #map}, {transform_indices = #map}, {transform_indices = #map}, {transform_indices = #map}]} {
    %mul3A = arith.constant 2 : i32
    %mul3A_0 = arith.muli %arg1, %mul3A : i32
    %add3A = arith.addi %mul3A_0, %arg0 : i32
    %mul3A_1 = arith.constant 4 : i32
    %mul3A_2 = arith.muli %add3A, %mul3A_1 : i32
    "tpu.region"() ({
      %run_scoped3A = tpu.sem_alloc : memref<!tpu.dma_semaphore, #tpu.memory_space<semaphore_mem>>
      %dma_start3A_767 = arith.constant 0 : i32
      %dma_start3A_768 = tpu.memref_slice %arg2[%mul3A_2, %dma_start3A_767] : memref<128x128xi32, #tpu.memory_space<hbm>> -> memref<4x128xi32, #tpu.memory_space<hbm>>
      %dma_start3A_769 = arith.constant 0 : i32
      %dma_start3A_770 = tpu.memref_slice %arg2[%mul3A_2, %dma_start3A_769] : memref<128x128xi32, #tpu.memory_space<hbm>> -> memref<4x128xi32, #tpu.memory_space<hbm>>
      tpu.enqueue_dma source(%dma_start3A_770 : memref<4x128xi32, #tpu.memory_space<hbm>>) target(%arg7 : memref<4x128xi32, #tpu.memory_space<vmem>>) target_semaphore(%run_scoped3A : memref<!tpu.dma_semaphore, #tpu.memory_space<semaphore_mem>>)
      %dma_wait3A_771 = arith.constant 0 : i32
      %dma_wait3A_772 = tpu.memref_slice %arg2[%mul3A_2, %dma_wait3A_771] : memref<128x128xi32, #tpu.memory_space<hbm>> -> memref<4x128xi32, #tpu.memory_space<hbm>>
      %dma_wait3A_773 = arith.constant 0 : i32
      %dma_wait3A_774 = tpu.memref_slice %arg2[%mul3A_2, %dma_wait3A_773] : memref<128x128xi32, #tpu.memory_space<hbm>> -> memref<4x128xi32, #tpu.memory_space<hbm>>
      tpu.wait_dma2 semaphore(%run_scoped3A : memref<!tpu.dma_semaphore, #tpu.memory_space<semaphore_mem>>) src(%dma_wait3A_774 : memref<4x128xi32, #tpu.memory_space<hbm>>) dst(%arg7 : memref<4x128xi32, #tpu.memory_space<vmem>>)
      tpu.yield
    }) : () -> ()
    "tpu.region"() ({
      %run_scoped3A = tpu.sem_alloc : memref<!tpu.dma_semaphore, #tpu.memory_space<semaphore_mem>>
      %dma_start3A_767 = arith.constant 0 : i32
      %dma_start3A_768 = tpu.memref_slice %arg3[%mul3A_2, %dma_start3A_767] : memref<128x128xi32, #tpu.memory_space<hbm>> -> memref<4x128xi32, #tpu.memory_space<hbm>>
      %dma_start3A_769 = arith.constant 0 : i32
      %dma_start3A_770 = tpu.memref_slice %arg3[%mul3A_2, %dma_start3A_769] : memref<128x128xi32, #tpu.memory_space<hbm>> -> memref<4x128xi32, #tpu.memory_space<hbm>>
      tpu.enqueue_dma source(%dma_start3A_770 : memref<4x128xi32, #tpu.memory_space<hbm>>) target(%arg8 : memref<4x128xi32, #tpu.memory_space<vmem>>) target_semaphore(%run_scoped3A : memref<!tpu.dma_semaphore, #tpu.memory_space<semaphore_mem>>)
      %dma_wait3A_771 = arith.constant 0 : i32
      %dma_wait3A_772 = tpu.memref_slice %arg3[%mul3A_2, %dma_wait3A_771] : memref<128x128xi32, #tpu.memory_space<hbm>> -> memref<4x128xi32, #tpu.memory_space<hbm>>
      %dma_wait3A_773 = arith.constant 0 : i32
      %dma_wait3A_774 = tpu.memref_slice %arg3[%mul3A_2, %dma_wait3A_773] : memref<128x128xi32, #tpu.memory_space<hbm>> -> memref<4x128xi32, #tpu.memory_space<hbm>>
      tpu.wait_dma2 semaphore(%run_scoped3A : memref<!tpu.dma_semaphore, #tpu.memory_space<semaphore_mem>>) src(%dma_wait3A_774 : memref<4x128xi32, #tpu.memory_space<hbm>>) dst(%arg8 : memref<4x128xi32, #tpu.memory_space<vmem>>)
      tpu.yield
    }) : () -> ()
    %dma_start3A = arith.constant 0 : i32
    %dma_start3A_3 = arith.constant 0 : i32
    %dma_start3A_4 = arith.constant 0 : i32
    %dma_start3A_5 = arith.constant 0 : i32
    %dma_start3A_6 = tpu.memref_slice %arg9[%dma_start3A_4, %dma_start3A_5] : memref<4x128xf32, #tpu.memory_space<vmem>> -> memref<1x128xf32, #tpu.memory_space<vmem>>
    %dma_start3A_7 = tpu.memref_squeeze %dma_start3A_6 : memref<1x128xf32, #tpu.memory_space<vmem>> -> memref<128xf32, #tpu.memory_space<vmem>>
    %dma_start3A_8 = arith.constant 0 : i32
    %dma_start3A_9 = tpu.memref_slice %arg7[%dma_start3A_3, %dma_start3A_8] : memref<4x128xi32, #tpu.memory_space<vmem>> -> memref<1x128xi32, #tpu.memory_space<vmem>>
    %dma_start3A_10 = tpu.memref_squeeze %dma_start3A_9 : memref<1x128xi32, #tpu.memory_space<vmem>> -> memref<128xi32, #tpu.memory_space<vmem>>
    %dma_start3A_11 = arith.constant 0 : i32
    %dma_start3A_12 = tpu.memref_slice %arg4[%dma_start3A, %dma_start3A_11] : memref<1x1000000xf32, #tpu.memory_space<hbm>> -> memref<1x1000000xf32, #tpu.memory_space<hbm>>
    %dma_start3A_13 = tpu.memref_squeeze %dma_start3A_12 : memref<1x1000000xf32, #tpu.memory_space<hbm>> -> memref<1000000xf32, #tpu.memory_space<hbm>>
    %dma_start3A_14 = arith.constant 0 : i32
    %dma_start3A_15 = tpu.memref_slice %dma_start3A_13[%dma_start3A_14] : memref<1000000xf32, #tpu.memory_space<hbm>> -> memref<1000000xf32, #tpu.memory_space<hbm>>
    tpu.enqueue_indirect_dma source(%dma_start3A_15 : memref<1000000xf32, #tpu.memory_space<hbm>>) target(%dma_start3A_7 : memref<128xf32, #tpu.memory_space<vmem>>) offsets(%dma_start3A_10 : memref<128xi32, #tpu.memory_space<vmem>>) semaphore(%arg11 : memref<!tpu.dma_semaphore, #tpu.memory_space<semaphore_mem>>)
    %dma_start3A_16 = arith.constant 0 : i32
    %dma_start3A_17 = arith.constant 0 : i32
    %dma_start3A_18 = arith.constant 0 : i32
    %dma_start3A_19 = arith.constant 0 : i32
    %dma_start3A_20 = tpu.memref_slice %arg10[%dma_start3A_18, %dma_start3A_19] : memref<4x128xf32, #tpu.memory_space<vmem>> -> memref<1x128xf32, #tpu.memory_space<vmem>>
    %dma_start3A_21 = tpu.memref_squeeze %dma_start3A_20 : memref<1x128xf32, #tpu.memory_space<vmem>> -> memref<128xf32, #tpu.memory_space<vmem>>
    %dma_start3A_22 = arith.constant 0 : i32
    %dma_start3A_23 = tpu.memref_slice %arg8[%dma_start3A_17, %dma_start3A_22] : memref<4x128xi32, #tpu.memory_space<vmem>> -> memref<1x128xi32, #tpu.memory_space<vmem>>
    %dma_start3A_24 = tpu.memref_squeeze %dma_start3A_23 : memref<1x128xi32, #tpu.memory_space<vmem>> -> memref<128xi32, #tpu.memory_space<vmem>>
    %dma_start3A_25 = arith.constant 0 : i32
    %dma_start3A_26 = tpu.memref_slice %arg5[%dma_start3A_16, %dma_start3A_25] : memref<1x1000000xf32, #tpu.memory_space<hbm>> -> memref<1x1000000xf32, #tpu.memory_space<hbm>>
    %dma_start3A_27 = tpu.memref_squeeze %dma_start3A_26 : memref<1x1000000xf32, #tpu.memory_space<hbm>> -> memref<1000000xf32, #tpu.memory_space<hbm>>
    %dma_start3A_28 = arith.constant 0 : i32
    %dma_start3A_29 = tpu.memref_slice %dma_start3A_27[%dma_start3A_28] : memref<1000000xf32, #tpu.memory_space<hbm>> -> memref<1000000xf32, #tpu.memory_space<hbm>>
    tpu.enqueue_indirect_dma source(%dma_start3A_29 : memref<1000000xf32, #tpu.memory_space<hbm>>) target(%dma_start3A_21 : memref<128xf32, #tpu.memory_space<vmem>>) offsets(%dma_start3A_24 : memref<128xi32, #tpu.memory_space<vmem>>) semaphore(%arg12 : memref<!tpu.dma_semaphore, #tpu.memory_space<semaphore_mem>>)
    %dma_start3A_30 = arith.constant 0 : i32
    %dma_start3A_31 = arith.constant 1 : i32
    %dma_start3A_32 = arith.constant 1 : i32
    %dma_start3A_33 = arith.constant 0 : i32
    %dma_start3A_34 = tpu.memref_slice %arg9[%dma_start3A_32, %dma_start3A_33] : memref<4x128xf32, #tpu.memory_space<vmem>> -> memref<1x128xf32, #tpu.memory_space<vmem>>
    %dma_start3A_35 = tpu.memref_squeeze %dma_start3A_34 : memref<1x128xf32, #tpu.memory_space<vmem>> -> memref<128xf32, #tpu.memory_space<vmem>>
    %dma_start3A_36 = arith.constant 0 : i32
    %dma_start3A_37 = tpu.memref_slice %arg7[%dma_start3A_31, %dma_start3A_36] : memref<4x128xi32, #tpu.memory_space<vmem>> -> memref<1x128xi32, #tpu.memory_space<vmem>>
    %dma_start3A_38 = tpu.memref_squeeze %dma_start3A_37 : memref<1x128xi32, #tpu.memory_space<vmem>> -> memref<128xi32, #tpu.memory_space<vmem>>
    %dma_start3A_39 = arith.constant 0 : i32
    %dma_start3A_40 = tpu.memref_slice %arg4[%dma_start3A_30, %dma_start3A_39] : memref<1x1000000xf32, #tpu.memory_space<hbm>> -> memref<1x1000000xf32, #tpu.memory_space<hbm>>
    %dma_start3A_41 = tpu.memref_squeeze %dma_start3A_40 : memref<1x1000000xf32, #tpu.memory_space<hbm>> -> memref<1000000xf32, #tpu.memory_space<hbm>>
    %dma_start3A_42 = arith.constant 0 : i32
    %dma_start3A_43 = tpu.memref_slice %dma_start3A_41[%dma_start3A_42] : memref<1000000xf32, #tpu.memory_space<hbm>> -> memref<1000000xf32, #tpu.memory_space<hbm>>
    tpu.enqueue_indirect_dma source(%dma_start3A_43 : memref<1000000xf32, #tpu.memory_space<hbm>>) target(%dma_start3A_35 : memref<128xf32, #tpu.memory_space<vmem>>) offsets(%dma_start3A_38 : memref<128xi32, #tpu.memory_space<vmem>>) semaphore(%arg11 : memref<!tpu.dma_semaphore, #tpu.memory_space<semaphore_mem>>)
    %dma_start3A_44 = arith.constant 0 : i32
    %dma_start3A_45 = arith.constant 1 : i32
    %dma_start3A_46 = arith.constant 1 : i32
    %dma_start3A_47 = arith.constant 0 : i32
    %dma_start3A_48 = tpu.memref_slice %arg10[%dma_start3A_46, %dma_start3A_47] : memref<4x128xf32, #tpu.memory_space<vmem>> -> memref<1x128xf32, #tpu.memory_space<vmem>>
    %dma_start3A_49 = tpu.memref_squeeze %dma_start3A_48 : memref<1x128xf32, #tpu.memory_space<vmem>> -> memref<128xf32, #tpu.memory_space<vmem>>
    %dma_start3A_50 = arith.constant 0 : i32
    %dma_start3A_51 = tpu.memref_slice %arg8[%dma_start3A_45, %dma_start3A_50] : memref<4x128xi32, #tpu.memory_space<vmem>> -> memref<1x128xi32, #tpu.memory_space<vmem>>
    %dma_start3A_52 = tpu.memref_squeeze %dma_start3A_51 : memref<1x128xi32, #tpu.memory_space<vmem>> -> memref<128xi32, #tpu.memory_space<vmem>>
    %dma_start3A_53 = arith.constant 0 : i32
    %dma_start3A_54 = tpu.memref_slice %arg5[%dma_start3A_44, %dma_start3A_53] : memref<1x1000000xf32, #tpu.memory_space<hbm>> -> memref<1x1000000xf32, #tpu.memory_space<hbm>>
    %dma_start3A_55 = tpu.memref_squeeze %dma_start3A_54 : memref<1x1000000xf32, #tpu.memory_space<hbm>> -> memref<1000000xf32, #tpu.memory_space<hbm>>
    %dma_start3A_56 = arith.constant 0 : i32
    %dma_start3A_57 = tpu.memref_slice %dma_start3A_55[%dma_start3A_56] : memref<1000000xf32, #tpu.memory_space<hbm>> -> memref<1000000xf32, #tpu.memory_space<hbm>>
    tpu.enqueue_indirect_dma source(%dma_start3A_57 : memref<1000000xf32, #tpu.memory_space<hbm>>) target(%dma_start3A_49 : memref<128xf32, #tpu.memory_space<vmem>>) offsets(%dma_start3A_52 : memref<128xi32, #tpu.memory_space<vmem>>) semaphore(%arg12 : memref<!tpu.dma_semaphore, #tpu.memory_space<semaphore_mem>>)
    %dma_start3A_58 = arith.constant 0 : i32
    %dma_start3A_59 = arith.constant 2 : i32
    %dma_start3A_60 = arith.constant 2 : i32
    %dma_start3A_61 = arith.constant 0 : i32
    %dma_start3A_62 = tpu.memref_slice %arg9[%dma_start3A_60, %dma_start3A_61] : memref<4x128xf32, #tpu.memory_space<vmem>> -> memref<1x128xf32, #tpu.memory_space<vmem>>
    %dma_start3A_63 = tpu.memref_squeeze %dma_start3A_62 : memref<1x128xf32, #tpu.memory_space<vmem>> -> memref<128xf32, #tpu.memory_space<vmem>>
    %dma_start3A_64 = arith.constant 0 : i32
    %dma_start3A_65 = tpu.memref_slice %arg7[%dma_start3A_59, %dma_start3A_64] : memref<4x128xi32, #tpu.memory_space<vmem>> -> memref<1x128xi32, #tpu.memory_space<vmem>>
    %dma_start3A_66 = tpu.memref_squeeze %dma_start3A_65 : memref<1x128xi32, #tpu.memory_space<vmem>> -> memref<128xi32, #tpu.memory_space<vmem>>
    %dma_start3A_67 = arith.constant 0 : i32
    %dma_start3A_68 = tpu.memref_slice %arg4[%dma_start3A_58, %dma_start3A_67] : memref<1x1000000xf32, #tpu.memory_space<hbm>> -> memref<1x1000000xf32, #tpu.memory_space<hbm>>
    %dma_start3A_69 = tpu.memref_squeeze %dma_start3A_68 : memref<1x1000000xf32, #tpu.memory_space<hbm>> -> memref<1000000xf32, #tpu.memory_space<hbm>>
    %dma_start3A_70 = arith.constant 0 : i32
    %dma_start3A_71 = tpu.memref_slice %dma_start3A_69[%dma_start3A_70] : memref<1000000xf32, #tpu.memory_space<hbm>> -> memref<1000000xf32, #tpu.memory_space<hbm>>
    tpu.enqueue_indirect_dma source(%dma_start3A_71 : memref<1000000xf32, #tpu.memory_space<hbm>>) target(%dma_start3A_63 : memref<128xf32, #tpu.memory_space<vmem>>) offsets(%dma_start3A_66 : memref<128xi32, #tpu.memory_space<vmem>>) semaphore(%arg11 : memref<!tpu.dma_semaphore, #tpu.memory_space<semaphore_mem>>)
    %dma_start3A_72 = arith.constant 0 : i32
    %dma_start3A_73 = arith.constant 2 : i32
    %dma_start3A_74 = arith.constant 2 : i32
    %dma_start3A_75 = arith.constant 0 : i32
    %dma_start3A_76 = tpu.memref_slice %arg10[%dma_start3A_74, %dma_start3A_75] : memref<4x128xf32, #tpu.memory_space<vmem>> -> memref<1x128xf32, #tpu.memory_space<vmem>>
    %dma_start3A_77 = tpu.memref_squeeze %dma_start3A_76 : memref<1x128xf32, #tpu.memory_space<vmem>> -> memref<128xf32, #tpu.memory_space<vmem>>
    %dma_start3A_78 = arith.constant 0 : i32
    %dma_start3A_79 = tpu.memref_slice %arg8[%dma_start3A_73, %dma_start3A_78] : memref<4x128xi32, #tpu.memory_space<vmem>> -> memref<1x128xi32, #tpu.memory_space<vmem>>
    %dma_start3A_80 = tpu.memref_squeeze %dma_start3A_79 : memref<1x128xi32, #tpu.memory_space<vmem>> -> memref<128xi32, #tpu.memory_space<vmem>>
    %dma_start3A_81 = arith.constant 0 : i32
    %dma_start3A_82 = tpu.memref_slice %arg5[%dma_start3A_72, %dma_start3A_81] : memref<1x1000000xf32, #tpu.memory_space<hbm>> -> memref<1x1000000xf32, #tpu.memory_space<hbm>>
    %dma_start3A_83 = tpu.memref_squeeze %dma_start3A_82 : memref<1x1000000xf32, #tpu.memory_space<hbm>> -> memref<1000000xf32, #tpu.memory_space<hbm>>
    %dma_start3A_84 = arith.constant 0 : i32
    %dma_start3A_85 = tpu.memref_slice %dma_start3A_83[%dma_start3A_84] : memref<1000000xf32, #tpu.memory_space<hbm>> -> memref<1000000xf32, #tpu.memory_space<hbm>>
    tpu.enqueue_indirect_dma source(%dma_start3A_85 : memref<1000000xf32, #tpu.memory_space<hbm>>) target(%dma_start3A_77 : memref<128xf32, #tpu.memory_space<vmem>>) offsets(%dma_start3A_80 : memref<128xi32, #tpu.memory_space<vmem>>) semaphore(%arg12 : memref<!tpu.dma_semaphore, #tpu.memory_space<semaphore_mem>>)
    %dma_start3A_86 = arith.constant 0 : i32
    %dma_start3A_87 = arith.constant 3 : i32
    %dma_start3A_88 = arith.constant 3 : i32
    %dma_start3A_89 = arith.constant 0 : i32
    %dma_start3A_90 = tpu.memref_slice %arg9[%dma_start3A_88, %dma_start3A_89] : memref<4x128xf32, #tpu.memory_space<vmem>> -> memref<1x128xf32, #tpu.memory_space<vmem>>
    %dma_start3A_91 = tpu.memref_squeeze %dma_start3A_90 : memref<1x128xf32, #tpu.memory_space<vmem>> -> memref<128xf32, #tpu.memory_space<vmem>>
    %dma_start3A_92 = arith.constant 0 : i32
    %dma_start3A_93 = tpu.memref_slice %arg7[%dma_start3A_87, %dma_start3A_92] : memref<4x128xi32, #tpu.memory_space<vmem>> -> memref<1x128xi32, #tpu.memory_space<vmem>>
    %dma_start3A_94 = tpu.memref_squeeze %dma_start3A_93 : memref<1x128xi32, #tpu.memory_space<vmem>> -> memref<128xi32, #tpu.memory_space<vmem>>
    %dma_start3A_95 = arith.constant 0 : i32
    %dma_start3A_96 = tpu.memref_slice %arg4[%dma_start3A_86, %dma_start3A_95] : memref<1x1000000xf32, #tpu.memory_space<hbm>> -> memref<1x1000000xf32, #tpu.memory_space<hbm>>
    %dma_start3A_97 = tpu.memref_squeeze %dma_start3A_96 : memref<1x1000000xf32, #tpu.memory_space<hbm>> -> memref<1000000xf32, #tpu.memory_space<hbm>>
    %dma_start3A_98 = arith.constant 0 : i32
    %dma_start3A_99 = tpu.memref_slice %dma_start3A_97[%dma_start3A_98] : memref<1000000xf32, #tpu.memory_space<hbm>> -> memref<1000000xf32, #tpu.memory_space<hbm>>
    tpu.enqueue_indirect_dma source(%dma_start3A_99 : memref<1000000xf32, #tpu.memory_space<hbm>>) target(%dma_start3A_91 : memref<128xf32, #tpu.memory_space<vmem>>) offsets(%dma_start3A_94 : memref<128xi32, #tpu.memory_space<vmem>>) semaphore(%arg11 : memref<!tpu.dma_semaphore, #tpu.memory_space<semaphore_mem>>)
    %dma_start3A_100 = arith.constant 0 : i32
    %dma_start3A_101 = arith.constant 3 : i32
    %dma_start3A_102 = arith.constant 3 : i32
    %dma_start3A_103 = arith.constant 0 : i32
    %dma_start3A_104 = tpu.memref_slice %arg10[%dma_start3A_102, %dma_start3A_103] : memref<4x128xf32, #tpu.memory_space<vmem>> -> memref<1x128xf32, #tpu.memory_space<vmem>>
    %dma_start3A_105 = tpu.memref_squeeze %dma_start3A_104 : memref<1x128xf32, #tpu.memory_space<vmem>> -> memref<128xf32, #tpu.memory_space<vmem>>
    %dma_start3A_106 = arith.constant 0 : i32
    %dma_start3A_107 = tpu.memref_slice %arg8[%dma_start3A_101, %dma_start3A_106] : memref<4x128xi32, #tpu.memory_space<vmem>> -> memref<1x128xi32, #tpu.memory_space<vmem>>
    %dma_start3A_108 = tpu.memref_squeeze %dma_start3A_107 : memref<1x128xi32, #tpu.memory_space<vmem>> -> memref<128xi32, #tpu.memory_space<vmem>>
    %dma_start3A_109 = arith.constant 0 : i32
    %dma_start3A_110 = tpu.memref_slice %arg5[%dma_start3A_100, %dma_start3A_109] : memref<1x1000000xf32, #tpu.memory_space<hbm>> -> memref<1x1000000xf32, #tpu.memory_space<hbm>>
    %dma_start3A_111 = tpu.memref_squeeze %dma_start3A_110 : memref<1x1000000xf32, #tpu.memory_space<hbm>> -> memref<1000000xf32, #tpu.memory_space<hbm>>
    %dma_start3A_112 = arith.constant 0 : i32
    %dma_start3A_113 = tpu.memref_slice %dma_start3A_111[%dma_start3A_112] : memref<1000000xf32, #tpu.memory_space<hbm>> -> memref<1000000xf32, #tpu.memory_space<hbm>>
    tpu.enqueue_indirect_dma source(%dma_start3A_113 : memref<1000000xf32, #tpu.memory_space<hbm>>) target(%dma_start3A_105 : memref<128xf32, #tpu.memory_space<vmem>>) offsets(%dma_start3A_108 : memref<128xi32, #tpu.memory_space<vmem>>) semaphore(%arg12 : memref<!tpu.dma_semaphore, #tpu.memory_space<semaphore_mem>>)
    %dma_wait3A = arith.constant 0 : i32
    %dma_wait3A_114 = arith.constant 0 : i32
    %dma_wait3A_115 = arith.constant 0 : i32
    %dma_wait3A_116 = arith.constant 0 : i32
    %dma_wait3A_117 = tpu.memref_slice %arg9[%dma_wait3A_115, %dma_wait3A_116] : memref<4x128xf32, #tpu.memory_space<vmem>> -> memref<1x128xf32, #tpu.memory_space<vmem>>
    %dma_wait3A_118 = tpu.memref_squeeze %dma_wait3A_117 : memref<1x128xf32, #tpu.memory_space<vmem>> -> memref<128xf32, #tpu.memory_space<vmem>>
    %dma_wait3A_119 = arith.constant 0 : i32
    %dma_wait3A_120 = tpu.memref_slice %arg7[%dma_wait3A_114, %dma_wait3A_119] : memref<4x128xi32, #tpu.memory_space<vmem>> -> memref<1x128xi32, #tpu.memory_space<vmem>>
    %dma_wait3A_121 = tpu.memref_squeeze %dma_wait3A_120 : memref<1x128xi32, #tpu.memory_space<vmem>> -> memref<128xi32, #tpu.memory_space<vmem>>
    %dma_wait3A_122 = arith.constant 0 : i32
    %dma_wait3A_123 = tpu.memref_slice %arg4[%dma_wait3A, %dma_wait3A_122] : memref<1x1000000xf32, #tpu.memory_space<hbm>> -> memref<1x1000000xf32, #tpu.memory_space<hbm>>
    %dma_wait3A_124 = tpu.memref_squeeze %dma_wait3A_123 : memref<1x1000000xf32, #tpu.memory_space<hbm>> -> memref<1000000xf32, #tpu.memory_space<hbm>>
    %dma_wait3A_125 = arith.constant 0 : i32
    %dma_wait3A_126 = tpu.memref_slice %dma_wait3A_124[%dma_wait3A_125] : memref<1000000xf32, #tpu.memory_space<hbm>> -> memref<1000000xf32, #tpu.memory_space<hbm>>
    tpu.wait_indirect_dma semaphore(%arg11 : memref<!tpu.dma_semaphore, #tpu.memory_space<semaphore_mem>>) src(%dma_wait3A_126 : memref<1000000xf32, #tpu.memory_space<hbm>>) dst(%dma_wait3A_118 : memref<128xf32, #tpu.memory_space<vmem>>)
    %dma_wait3A_127 = arith.constant 0 : i32
    %dma_wait3A_128 = arith.constant 0 : i32
    %dma_wait3A_129 = arith.constant 0 : i32
    %dma_wait3A_130 = arith.constant 0 : i32
    %dma_wait3A_131 = tpu.memref_slice %arg10[%dma_wait3A_129, %dma_wait3A_130] : memref<4x128xf32, #tpu.memory_space<vmem>> -> memref<1x128xf32, #tpu.memory_space<vmem>>
    %dma_wait3A_132 = tpu.memref_squeeze %dma_wait3A_131 : memref<1x128xf32, #tpu.memory_space<vmem>> -> memref<128xf32, #tpu.memory_space<vmem>>
    %dma_wait3A_133 = arith.constant 0 : i32
    %dma_wait3A_134 = tpu.memref_slice %arg8[%dma_wait3A_128, %dma_wait3A_133] : memref<4x128xi32, #tpu.memory_space<vmem>> -> memref<1x128xi32, #tpu.memory_space<vmem>>
    %dma_wait3A_135 = tpu.memref_squeeze %dma_wait3A_134 : memref<1x128xi32, #tpu.memory_space<vmem>> -> memref<128xi32, #tpu.memory_space<vmem>>
    %dma_wait3A_136 = arith.constant 0 : i32
    %dma_wait3A_137 = tpu.memref_slice %arg5[%dma_wait3A_127, %dma_wait3A_136] : memref<1x1000000xf32, #tpu.memory_space<hbm>> -> memref<1x1000000xf32, #tpu.memory_space<hbm>>
    %dma_wait3A_138 = tpu.memref_squeeze %dma_wait3A_137 : memref<1x1000000xf32, #tpu.memory_space<hbm>> -> memref<1000000xf32, #tpu.memory_space<hbm>>
    %dma_wait3A_139 = arith.constant 0 : i32
    %dma_wait3A_140 = tpu.memref_slice %dma_wait3A_138[%dma_wait3A_139] : memref<1000000xf32, #tpu.memory_space<hbm>> -> memref<1000000xf32, #tpu.memory_space<hbm>>
    tpu.wait_indirect_dma semaphore(%arg12 : memref<!tpu.dma_semaphore, #tpu.memory_space<semaphore_mem>>) src(%dma_wait3A_140 : memref<1000000xf32, #tpu.memory_space<hbm>>) dst(%dma_wait3A_132 : memref<128xf32, #tpu.memory_space<vmem>>)
    %dma_wait3A_141 = arith.constant 0 : i32
    %dma_wait3A_142 = arith.constant 1 : i32
    %dma_wait3A_143 = arith.constant 1 : i32
    %dma_wait3A_144 = arith.constant 0 : i32
    %dma_wait3A_145 = tpu.memref_slice %arg9[%dma_wait3A_143, %dma_wait3A_144] : memref<4x128xf32, #tpu.memory_space<vmem>> -> memref<1x128xf32, #tpu.memory_space<vmem>>
    %dma_wait3A_146 = tpu.memref_squeeze %dma_wait3A_145 : memref<1x128xf32, #tpu.memory_space<vmem>> -> memref<128xf32, #tpu.memory_space<vmem>>
    %dma_wait3A_147 = arith.constant 0 : i32
    %dma_wait3A_148 = tpu.memref_slice %arg7[%dma_wait3A_142, %dma_wait3A_147] : memref<4x128xi32, #tpu.memory_space<vmem>> -> memref<1x128xi32, #tpu.memory_space<vmem>>
    %dma_wait3A_149 = tpu.memref_squeeze %dma_wait3A_148 : memref<1x128xi32, #tpu.memory_space<vmem>> -> memref<128xi32, #tpu.memory_space<vmem>>
    %dma_wait3A_150 = arith.constant 0 : i32
    %dma_wait3A_151 = tpu.memref_slice %arg4[%dma_wait3A_141, %dma_wait3A_150] : memref<1x1000000xf32, #tpu.memory_space<hbm>> -> memref<1x1000000xf32, #tpu.memory_space<hbm>>
    %dma_wait3A_152 = tpu.memref_squeeze %dma_wait3A_151 : memref<1x1000000xf32, #tpu.memory_space<hbm>> -> memref<1000000xf32, #tpu.memory_space<hbm>>
    %dma_wait3A_153 = arith.constant 0 : i32
    %dma_wait3A_154 = tpu.memref_slice %dma_wait3A_152[%dma_wait3A_153] : memref<1000000xf32, #tpu.memory_space<hbm>> -> memref<1000000xf32, #tpu.memory_space<hbm>>
    tpu.wait_indirect_dma semaphore(%arg11 : memref<!tpu.dma_semaphore, #tpu.memory_space<semaphore_mem>>) src(%dma_wait3A_154 : memref<1000000xf32, #tpu.memory_space<hbm>>) dst(%dma_wait3A_146 : memref<128xf32, #tpu.memory_space<vmem>>)
    %dma_wait3A_155 = arith.constant 0 : i32
    %dma_wait3A_156 = arith.constant 1 : i32
    %dma_wait3A_157 = arith.constant 1 : i32
    %dma_wait3A_158 = arith.constant 0 : i32
    %dma_wait3A_159 = tpu.memref_slice %arg10[%dma_wait3A_157, %dma_wait3A_158] : memref<4x128xf32, #tpu.memory_space<vmem>> -> memref<1x128xf32, #tpu.memory_space<vmem>>
    %dma_wait3A_160 = tpu.memref_squeeze %dma_wait3A_159 : memref<1x128xf32, #tpu.memory_space<vmem>> -> memref<128xf32, #tpu.memory_space<vmem>>
    %dma_wait3A_161 = arith.constant 0 : i32
    %dma_wait3A_162 = tpu.memref_slice %arg8[%dma_wait3A_156, %dma_wait3A_161] : memref<4x128xi32, #tpu.memory_space<vmem>> -> memref<1x128xi32, #tpu.memory_space<vmem>>
    %dma_wait3A_163 = tpu.memref_squeeze %dma_wait3A_162 : memref<1x128xi32, #tpu.memory_space<vmem>> -> memref<128xi32, #tpu.memory_space<vmem>>
    %dma_wait3A_164 = arith.constant 0 : i32
    %dma_wait3A_165 = tpu.memref_slice %arg5[%dma_wait3A_155, %dma_wait3A_164] : memref<1x1000000xf32, #tpu.memory_space<hbm>> -> memref<1x1000000xf32, #tpu.memory_space<hbm>>
    %dma_wait3A_166 = tpu.memref_squeeze %dma_wait3A_165 : memref<1x1000000xf32, #tpu.memory_space<hbm>> -> memref<1000000xf32, #tpu.memory_space<hbm>>
    %dma_wait3A_167 = arith.constant 0 : i32
    %dma_wait3A_168 = tpu.memref_slice %dma_wait3A_166[%dma_wait3A_167] : memref<1000000xf32, #tpu.memory_space<hbm>> -> memref<1000000xf32, #tpu.memory_space<hbm>>
    tpu.wait_indirect_dma semaphore(%arg12 : memref<!tpu.dma_semaphore, #tpu.memory_space<semaphore_mem>>) src(%dma_wait3A_168 : memref<1000000xf32, #tpu.memory_space<hbm>>) dst(%dma_wait3A_160 : memref<128xf32, #tpu.memory_space<vmem>>)
    %dma_wait3A_169 = arith.constant 0 : i32
    %dma_wait3A_170 = arith.constant 2 : i32
    %dma_wait3A_171 = arith.constant 2 : i32
    %dma_wait3A_172 = arith.constant 0 : i32
    %dma_wait3A_173 = tpu.memref_slice %arg9[%dma_wait3A_171, %dma_wait3A_172] : memref<4x128xf32, #tpu.memory_space<vmem>> -> memref<1x128xf32, #tpu.memory_space<vmem>>
    %dma_wait3A_174 = tpu.memref_squeeze %dma_wait3A_173 : memref<1x128xf32, #tpu.memory_space<vmem>> -> memref<128xf32, #tpu.memory_space<vmem>>
    %dma_wait3A_175 = arith.constant 0 : i32
    %dma_wait3A_176 = tpu.memref_slice %arg7[%dma_wait3A_170, %dma_wait3A_175] : memref<4x128xi32, #tpu.memory_space<vmem>> -> memref<1x128xi32, #tpu.memory_space<vmem>>
    %dma_wait3A_177 = tpu.memref_squeeze %dma_wait3A_176 : memref<1x128xi32, #tpu.memory_space<vmem>> -> memref<128xi32, #tpu.memory_space<vmem>>
    %dma_wait3A_178 = arith.constant 0 : i32
    %dma_wait3A_179 = tpu.memref_slice %arg4[%dma_wait3A_169, %dma_wait3A_178] : memref<1x1000000xf32, #tpu.memory_space<hbm>> -> memref<1x1000000xf32, #tpu.memory_space<hbm>>
    %dma_wait3A_180 = tpu.memref_squeeze %dma_wait3A_179 : memref<1x1000000xf32, #tpu.memory_space<hbm>> -> memref<1000000xf32, #tpu.memory_space<hbm>>
    %dma_wait3A_181 = arith.constant 0 : i32
    %dma_wait3A_182 = tpu.memref_slice %dma_wait3A_180[%dma_wait3A_181] : memref<1000000xf32, #tpu.memory_space<hbm>> -> memref<1000000xf32, #tpu.memory_space<hbm>>
    tpu.wait_indirect_dma semaphore(%arg11 : memref<!tpu.dma_semaphore, #tpu.memory_space<semaphore_mem>>) src(%dma_wait3A_182 : memref<1000000xf32, #tpu.memory_space<hbm>>) dst(%dma_wait3A_174 : memref<128xf32, #tpu.memory_space<vmem>>)
    %dma_wait3A_183 = arith.constant 0 : i32
    %dma_wait3A_184 = arith.constant 2 : i32
    %dma_wait3A_185 = arith.constant 2 : i32
    %dma_wait3A_186 = arith.constant 0 : i32
    %dma_wait3A_187 = tpu.memref_slice %arg10[%dma_wait3A_185, %dma_wait3A_186] : memref<4x128xf32, #tpu.memory_space<vmem>> -> memref<1x128xf32, #tpu.memory_space<vmem>>
    %dma_wait3A_188 = tpu.memref_squeeze %dma_wait3A_187 : memref<1x128xf32, #tpu.memory_space<vmem>> -> memref<128xf32, #tpu.memory_space<vmem>>
    %dma_wait3A_189 = arith.constant 0 : i32
    %dma_wait3A_190 = tpu.memref_slice %arg8[%dma_wait3A_184, %dma_wait3A_189] : memref<4x128xi32, #tpu.memory_space<vmem>> -> memref<1x128xi32, #tpu.memory_space<vmem>>
    %dma_wait3A_191 = tpu.memref_squeeze %dma_wait3A_190 : memref<1x128xi32, #tpu.memory_space<vmem>> -> memref<128xi32, #tpu.memory_space<vmem>>
    %dma_wait3A_192 = arith.constant 0 : i32
    %dma_wait3A_193 = tpu.memref_slice %arg5[%dma_wait3A_183, %dma_wait3A_192] : memref<1x1000000xf32, #tpu.memory_space<hbm>> -> memref<1x1000000xf32, #tpu.memory_space<hbm>>
    %dma_wait3A_194 = tpu.memref_squeeze %dma_wait3A_193 : memref<1x1000000xf32, #tpu.memory_space<hbm>> -> memref<1000000xf32, #tpu.memory_space<hbm>>
    %dma_wait3A_195 = arith.constant 0 : i32
    %dma_wait3A_196 = tpu.memref_slice %dma_wait3A_194[%dma_wait3A_195] : memref<1000000xf32, #tpu.memory_space<hbm>> -> memref<1000000xf32, #tpu.memory_space<hbm>>
    tpu.wait_indirect_dma semaphore(%arg12 : memref<!tpu.dma_semaphore, #tpu.memory_space<semaphore_mem>>) src(%dma_wait3A_196 : memref<1000000xf32, #tpu.memory_space<hbm>>) dst(%dma_wait3A_188 : memref<128xf32, #tpu.memory_space<vmem>>)
    %dma_wait3A_197 = arith.constant 0 : i32
    %dma_wait3A_198 = arith.constant 3 : i32
    %dma_wait3A_199 = arith.constant 3 : i32
    %dma_wait3A_200 = arith.constant 0 : i32
    %dma_wait3A_201 = tpu.memref_slice %arg9[%dma_wait3A_199, %dma_wait3A_200] : memref<4x128xf32, #tpu.memory_space<vmem>> -> memref<1x128xf32, #tpu.memory_space<vmem>>
    %dma_wait3A_202 = tpu.memref_squeeze %dma_wait3A_201 : memref<1x128xf32, #tpu.memory_space<vmem>> -> memref<128xf32, #tpu.memory_space<vmem>>
    %dma_wait3A_203 = arith.constant 0 : i32
    %dma_wait3A_204 = tpu.memref_slice %arg7[%dma_wait3A_198, %dma_wait3A_203] : memref<4x128xi32, #tpu.memory_space<vmem>> -> memref<1x128xi32, #tpu.memory_space<vmem>>
    %dma_wait3A_205 = tpu.memref_squeeze %dma_wait3A_204 : memref<1x128xi32, #tpu.memory_space<vmem>> -> memref<128xi32, #tpu.memory_space<vmem>>
    %dma_wait3A_206 = arith.constant 0 : i32
    %dma_wait3A_207 = tpu.memref_slice %arg4[%dma_wait3A_197, %dma_wait3A_206] : memref<1x1000000xf32, #tpu.memory_space<hbm>> -> memref<1x1000000xf32, #tpu.memory_space<hbm>>
    %dma_wait3A_208 = tpu.memref_squeeze %dma_wait3A_207 : memref<1x1000000xf32, #tpu.memory_space<hbm>> -> memref<1000000xf32, #tpu.memory_space<hbm>>
    %dma_wait3A_209 = arith.constant 0 : i32
    %dma_wait3A_210 = tpu.memref_slice %dma_wait3A_208[%dma_wait3A_209] : memref<1000000xf32, #tpu.memory_space<hbm>> -> memref<1000000xf32, #tpu.memory_space<hbm>>
    tpu.wait_indirect_dma semaphore(%arg11 : memref<!tpu.dma_semaphore, #tpu.memory_space<semaphore_mem>>) src(%dma_wait3A_210 : memref<1000000xf32, #tpu.memory_space<hbm>>) dst(%dma_wait3A_202 : memref<128xf32, #tpu.memory_space<vmem>>)
    %dma_wait3A_211 = arith.constant 0 : i32
    %dma_wait3A_212 = arith.constant 3 : i32
    %dma_wait3A_213 = arith.constant 3 : i32
    %dma_wait3A_214 = arith.constant 0 : i32
    %dma_wait3A_215 = tpu.memref_slice %arg10[%dma_wait3A_213, %dma_wait3A_214] : memref<4x128xf32, #tpu.memory_space<vmem>> -> memref<1x128xf32, #tpu.memory_space<vmem>>
    %dma_wait3A_216 = tpu.memref_squeeze %dma_wait3A_215 : memref<1x128xf32, #tpu.memory_space<vmem>> -> memref<128xf32, #tpu.memory_space<vmem>>
    %dma_wait3A_217 = arith.constant 0 : i32
    %dma_wait3A_218 = tpu.memref_slice %arg8[%dma_wait3A_212, %dma_wait3A_217] : memref<4x128xi32, #tpu.memory_space<vmem>> -> memref<1x128xi32, #tpu.memory_space<vmem>>
    %dma_wait3A_219 = tpu.memref_squeeze %dma_wait3A_218 : memref<1x128xi32, #tpu.memory_space<vmem>> -> memref<128xi32, #tpu.memory_space<vmem>>
    %dma_wait3A_220 = arith.constant 0 : i32
    %dma_wait3A_221 = tpu.memref_slice %arg5[%dma_wait3A_211, %dma_wait3A_220] : memref<1x1000000xf32, #tpu.memory_space<hbm>> -> memref<1x1000000xf32, #tpu.memory_space<hbm>>
    %dma_wait3A_222 = tpu.memref_squeeze %dma_wait3A_221 : memref<1x1000000xf32, #tpu.memory_space<hbm>> -> memref<1000000xf32, #tpu.memory_space<hbm>>
    %dma_wait3A_223 = arith.constant 0 : i32
    %dma_wait3A_224 = tpu.memref_slice %dma_wait3A_222[%dma_wait3A_223] : memref<1000000xf32, #tpu.memory_space<hbm>> -> memref<1000000xf32, #tpu.memory_space<hbm>>
    tpu.wait_indirect_dma semaphore(%arg12 : memref<!tpu.dma_semaphore, #tpu.memory_space<semaphore_mem>>) src(%dma_wait3A_224 : memref<1000000xf32, #tpu.memory_space<hbm>>) dst(%dma_wait3A_216 : memref<128xf32, #tpu.memory_space<vmem>>)
    %get3A = arith.constant 0 : i32
    %get3A_225 = arith.index_cast %get3A : i32 to index
    %get3A_226 = arith.constant 0 : index
    %get3A_227 = tpu.vector_load %arg9[%get3A_225, %get3A_226] {strides = array<i32>} : memref<4x128xf32, #tpu.memory_space<vmem>>, vector<1x16xf32>,
    %get3A_228 = vector.shape_cast %get3A_227 : vector<1x16xf32> to vector<16xf32>
    %get3A_229 = arith.constant 0 : i32
    %get3A_230 = arith.index_cast %get3A_229 : i32 to index
    %get3A_231 = arith.constant 0 : index
    %get3A_232 = tpu.vector_load %arg10[%get3A_230, %get3A_231] {strides = array<i32>} : memref<4x128xf32, #tpu.memory_space<vmem>>, vector<1x16xf32>,
    %get3A_233 = vector.shape_cast %get3A_232 : vector<1x16xf32> to vector<16xf32>
    %add3A_234 = arith.addf %get3A_228, %get3A_233 : vector<16xf32>
    %swap3A = arith.constant 0 : i32
    %swap3A_235 = arith.index_cast %swap3A : i32 to index
    %swap3A_236 = arith.constant 0 : index
    %swap3A_237 = tpu.vector_load %arg9[%swap3A_235, %swap3A_236] {strides = array<i32>} : memref<4x128xf32, #tpu.memory_space<vmem>>, vector<1x16xf32>,
    %swap3A_238 = vector.shape_cast %swap3A_237 : vector<1x16xf32> to vector<16xf32>
    %swap3A_239 = vector.shape_cast %add3A_234 : vector<16xf32> to vector<1x16xf32>
    tpu.vector_store %arg9[%swap3A_235, %swap3A_236], %swap3A_239 {strides = array<i32>} : memref<4x128xf32, #tpu.memory_space<vmem>>, vector<1x16xf32>,
    %get3A_240 = arith.constant 0 : i32
    %get3A_241 = arith.index_cast %get3A_240 : i32 to index
    %get3A_242 = arith.constant 16 : index
    %get3A_243 = tpu.vector_load %arg9[%get3A_241, %get3A_242] {strides = array<i32>} : memref<4x128xf32, #tpu.memory_space<vmem>>, vector<1x16xf32>,
    %get3A_244 = vector.shape_cast %get3A_243 : vector<1x16xf32> to vector<16xf32>
    %get3A_245 = arith.constant 0 : i32
    %get3A_246 = arith.index_cast %get3A_245 : i32 to index
    %get3A_247 = arith.constant 16 : index
    %get3A_248 = tpu.vector_load %arg10[%get3A_246, %get3A_247] {strides = array<i32>} : memref<4x128xf32, #tpu.memory_space<vmem>>, vector<1x16xf32>,
    %get3A_249 = vector.shape_cast %get3A_248 : vector<1x16xf32> to vector<16xf32>
    %add3A_250 = arith.addf %get3A_244, %get3A_249 : vector<16xf32>
    %swap3A_251 = arith.constant 0 : i32
    %swap3A_252 = arith.index_cast %swap3A_251 : i32 to index
    %swap3A_253 = arith.constant 16 : index
    %swap3A_254 = tpu.vector_load %arg9[%swap3A_252, %swap3A_253] {strides = array<i32>} : memref<4x128xf32, #tpu.memory_space<vmem>>, vector<1x16xf32>,
    %swap3A_255 = vector.shape_cast %swap3A_254 : vector<1x16xf32> to vector<16xf32>
    %swap3A_256 = vector.shape_cast %add3A_250 : vector<16xf32> to vector<1x16xf32>
    tpu.vector_store %arg9[%swap3A_252, %swap3A_253], %swap3A_256 {strides = array<i32>} : memref<4x128xf32, #tpu.memory_space<vmem>>, vector<1x16xf32>,
    %get3A_257 = arith.constant 0 : i32
    %get3A_258 = arith.index_cast %get3A_257 : i32 to index
    %get3A_259 = arith.constant 32 : index
    %get3A_260 = tpu.vector_load %arg9[%get3A_258, %get3A_259] {strides = array<i32>} : memref<4x128xf32, #tpu.memory_space<vmem>>, vector<1x16xf32>,
    %get3A_261 = vector.shape_cast %get3A_260 : vector<1x16xf32> to vector<16xf32>
    %get3A_262 = arith.constant 0 : i32
    %get3A_263 = arith.index_cast %get3A_262 : i32 to index
    %get3A_264 = arith.constant 32 : index
    %get3A_265 = tpu.vector_load %arg10[%get3A_263, %get3A_264] {strides = array<i32>} : memref<4x128xf32, #tpu.memory_space<vmem>>, vector<1x16xf32>,
    %get3A_266 = vector.shape_cast %get3A_265 : vector<1x16xf32> to vector<16xf32>
    %add3A_267 = arith.addf %get3A_261, %get3A_266 : vector<16xf32>
    %swap3A_268 = arith.constant 0 : i32
    %swap3A_269 = arith.index_cast %swap3A_268 : i32 to index
    %swap3A_270 = arith.constant 32 : index
    %swap3A_271 = tpu.vector_load %arg9[%swap3A_269, %swap3A_270] {strides = array<i32>} : memref<4x128xf32, #tpu.memory_space<vmem>>, vector<1x16xf32>,
    %swap3A_272 = vector.shape_cast %swap3A_271 : vector<1x16xf32> to vector<16xf32>
    %swap3A_273 = vector.shape_cast %add3A_267 : vector<16xf32> to vector<1x16xf32>
    tpu.vector_store %arg9[%swap3A_269, %swap3A_270], %swap3A_273 {strides = array<i32>} : memref<4x128xf32, #tpu.memory_space<vmem>>, vector<1x16xf32>,
    %get3A_274 = arith.constant 0 : i32
    %get3A_275 = arith.index_cast %get3A_274 : i32 to index
    %get3A_276 = arith.constant 48 : index
    %get3A_277 = tpu.vector_load %arg9[%get3A_275, %get3A_276] {strides = array<i32>} : memref<4x128xf32, #tpu.memory_space<vmem>>, vector<1x16xf32>,
    %get3A_278 = vector.shape_cast %get3A_277 : vector<1x16xf32> to vector<16xf32>
    %get3A_279 = arith.constant 0 : i32
    %get3A_280 = arith.index_cast %get3A_279 : i32 to index
    %get3A_281 = arith.constant 48 : index
    %get3A_282 = tpu.vector_load %arg10[%get3A_280, %get3A_281] {strides = array<i32>} : memref<4x128xf32, #tpu.memory_space<vmem>>, vector<1x16xf32>,
    %get3A_283 = vector.shape_cast %get3A_282 : vector<1x16xf32> to vector<16xf32>
    %add3A_284 = arith.addf %get3A_278, %get3A_283 : vector<16xf32>
    %swap3A_285 = arith.constant 0 : i32
    %swap3A_286 = arith.index_cast %swap3A_285 : i32 to index
    %swap3A_287 = arith.constant 48 : index
    %swap3A_288 = tpu.vector_load %arg9[%swap3A_286, %swap3A_287] {strides = array<i32>} : memref<4x128xf32, #tpu.memory_space<vmem>>, vector<1x16xf32>,
    %swap3A_289 = vector.shape_cast %swap3A_288 : vector<1x16xf32> to vector<16xf32>
    %swap3A_290 = vector.shape_cast %add3A_284 : vector<16xf32> to vector<1x16xf32>
    tpu.vector_store %arg9[%swap3A_286, %swap3A_287], %swap3A_290 {strides = array<i32>} : memref<4x128xf32, #tpu.memory_space<vmem>>, vector<1x16xf32>,
    %get3A_291 = arith.constant 0 : i32
    %get3A_292 = arith.index_cast %get3A_291 : i32 to index
    %get3A_293 = arith.constant 64 : index
    %get3A_294 = tpu.vector_load %arg9[%get3A_292, %get3A_293] {strides = array<i32>} : memref<4x128xf32, #tpu.memory_space<vmem>>, vector<1x16xf32>,
    %get3A_295 = vector.shape_cast %get3A_294 : vector<1x16xf32> to vector<16xf32>
    %get3A_296 = arith.constant 0 : i32
    %get3A_297 = arith.index_cast %get3A_296 : i32 to index
    %get3A_298 = arith.constant 64 : index
    %get3A_299 = tpu.vector_load %arg10[%get3A_297, %get3A_298] {strides = array<i32>} : memref<4x128xf32, #tpu.memory_space<vmem>>, vector<1x16xf32>,
    %get3A_300 = vector.shape_cast %get3A_299 : vector<1x16xf32> to vector<16xf32>
    %add3A_301 = arith.addf %get3A_295, %get3A_300 : vector<16xf32>
    %swap3A_302 = arith.constant 0 : i32
    %swap3A_303 = arith.index_cast %swap3A_302 : i32 to index
    %swap3A_304 = arith.constant 64 : index
    %swap3A_305 = tpu.vector_load %arg9[%swap3A_303, %swap3A_304] {strides = array<i32>} : memref<4x128xf32, #tpu.memory_space<vmem>>, vector<1x16xf32>,
    %swap3A_306 = vector.shape_cast %swap3A_305 : vector<1x16xf32> to vector<16xf32>
    %swap3A_307 = vector.shape_cast %add3A_301 : vector<16xf32> to vector<1x16xf32>
    tpu.vector_store %arg9[%swap3A_303, %swap3A_304], %swap3A_307 {strides = array<i32>} : memref<4x128xf32, #tpu.memory_space<vmem>>, vector<1x16xf32>,
    %get3A_308 = arith.constant 0 : i32
    %get3A_309 = arith.index_cast %get3A_308 : i32 to index
    %get3A_310 = arith.constant 80 : index
    %get3A_311 = tpu.vector_load %arg9[%get3A_309, %get3A_310] {strides = array<i32>} : memref<4x128xf32, #tpu.memory_space<vmem>>, vector<1x16xf32>,
    %get3A_312 = vector.shape_cast %get3A_311 : vector<1x16xf32> to vector<16xf32>
    %get3A_313 = arith.constant 0 : i32
    %get3A_314 = arith.index_cast %get3A_313 : i32 to index
    %get3A_315 = arith.constant 80 : index
    %get3A_316 = tpu.vector_load %arg10[%get3A_314, %get3A_315] {strides = array<i32>} : memref<4x128xf32, #tpu.memory_space<vmem>>, vector<1x16xf32>,
    %get3A_317 = vector.shape_cast %get3A_316 : vector<1x16xf32> to vector<16xf32>
    %add3A_318 = arith.addf %get3A_312, %get3A_317 : vector<16xf32>
    %swap3A_319 = arith.constant 0 : i32
    %swap3A_320 = arith.index_cast %swap3A_319 : i32 to index
    %swap3A_321 = arith.constant 80 : index
    %swap3A_322 = tpu.vector_load %arg9[%swap3A_320, %swap3A_321] {strides = array<i32>} : memref<4x128xf32, #tpu.memory_space<vmem>>, vector<1x16xf32>,
    %swap3A_323 = vector.shape_cast %swap3A_322 : vector<1x16xf32> to vector<16xf32>
    %swap3A_324 = vector.shape_cast %add3A_318 : vector<16xf32> to vector<1x16xf32>
    tpu.vector_store %arg9[%swap3A_320, %swap3A_321], %swap3A_324 {strides = array<i32>} : memref<4x128xf32, #tpu.memory_space<vmem>>, vector<1x16xf32>,
    %get3A_325 = arith.constant 0 : i32
    %get3A_326 = arith.index_cast %get3A_325 : i32 to index
    %get3A_327 = arith.constant 96 : index
    %get3A_328 = tpu.vector_load %arg9[%get3A_326, %get3A_327] {strides = array<i32>} : memref<4x128xf32, #tpu.memory_space<vmem>>, vector<1x16xf32>,
    %get3A_329 = vector.shape_cast %get3A_328 : vector<1x16xf32> to vector<16xf32>
    %get3A_330 = arith.constant 0 : i32
    %get3A_331 = arith.index_cast %get3A_330 : i32 to index
    %get3A_332 = arith.constant 96 : index
    %get3A_333 = tpu.vector_load %arg10[%get3A_331, %get3A_332] {strides = array<i32>} : memref<4x128xf32, #tpu.memory_space<vmem>>, vector<1x16xf32>,
    %get3A_334 = vector.shape_cast %get3A_333 : vector<1x16xf32> to vector<16xf32>
    %add3A_335 = arith.addf %get3A_329, %get3A_334 : vector<16xf32>
    %swap3A_336 = arith.constant 0 : i32
    %swap3A_337 = arith.index_cast %swap3A_336 : i32 to index
    %swap3A_338 = arith.constant 96 : index
    %swap3A_339 = tpu.vector_load %arg9[%swap3A_337, %swap3A_338] {strides = array<i32>} : memref<4x128xf32, #tpu.memory_space<vmem>>, vector<1x16xf32>,
    %swap3A_340 = vector.shape_cast %swap3A_339 : vector<1x16xf32> to vector<16xf32>
    %swap3A_341 = vector.shape_cast %add3A_335 : vector<16xf32> to vector<1x16xf32>
    tpu.vector_store %arg9[%swap3A_337, %swap3A_338], %swap3A_341 {strides = array<i32>} : memref<4x128xf32, #tpu.memory_space<vmem>>, vector<1x16xf32>,
    %get3A_342 = arith.constant 0 : i32
    %get3A_343 = arith.index_cast %get3A_342 : i32 to index
    %get3A_344 = arith.constant 112 : index
    %get3A_345 = tpu.vector_load %arg9[%get3A_343, %get3A_344] {strides = array<i32>} : memref<4x128xf32, #tpu.memory_space<vmem>>, vector<1x16xf32>,
    %get3A_346 = vector.shape_cast %get3A_345 : vector<1x16xf32> to vector<16xf32>
    %get3A_347 = arith.constant 0 : i32
    %get3A_348 = arith.index_cast %get3A_347 : i32 to index
    %get3A_349 = arith.constant 112 : index
    %get3A_350 = tpu.vector_load %arg10[%get3A_348, %get3A_349] {strides = array<i32>} : memref<4x128xf32, #tpu.memory_space<vmem>>, vector<1x16xf32>,
    %get3A_351 = vector.shape_cast %get3A_350 : vector<1x16xf32> to vector<16xf32>
    %add3A_352 = arith.addf %get3A_346, %get3A_351 : vector<16xf32>
    %swap3A_353 = arith.constant 0 : i32
    %swap3A_354 = arith.index_cast %swap3A_353 : i32 to index
    %swap3A_355 = arith.constant 112 : index
    %swap3A_356 = tpu.vector_load %arg9[%swap3A_354, %swap3A_355] {strides = array<i32>} : memref<4x128xf32, #tpu.memory_space<vmem>>, vector<1x16xf32>,
    %swap3A_357 = vector.shape_cast %swap3A_356 : vector<1x16xf32> to vector<16xf32>
    %swap3A_358 = vector.shape_cast %add3A_352 : vector<16xf32> to vector<1x16xf32>
    tpu.vector_store %arg9[%swap3A_354, %swap3A_355], %swap3A_358 {strides = array<i32>} : memref<4x128xf32, #tpu.memory_space<vmem>>, vector<1x16xf32>,
    %get3A_359 = arith.constant 1 : i32
    %get3A_360 = arith.index_cast %get3A_359 : i32 to index
    %get3A_361 = arith.constant 0 : index
    %get3A_362 = tpu.vector_load %arg9[%get3A_360, %get3A_361] {strides = array<i32>} : memref<4x128xf32, #tpu.memory_space<vmem>>, vector<1x16xf32>,
    %get3A_363 = vector.shape_cast %get3A_362 : vector<1x16xf32> to vector<16xf32>
    %get3A_364 = arith.constant 1 : i32
    %get3A_365 = arith.index_cast %get3A_364 : i32 to index
    %get3A_366 = arith.constant 0 : index
    %get3A_367 = tpu.vector_load %arg10[%get3A_365, %get3A_366] {strides = array<i32>} : memref<4x128xf32, #tpu.memory_space<vmem>>, vector<1x16xf32>,
    %get3A_368 = vector.shape_cast %get3A_367 : vector<1x16xf32> to vector<16xf32>
    %add3A_369 = arith.addf %get3A_363, %get3A_368 : vector<16xf32>
    %swap3A_370 = arith.constant 1 : i32
    %swap3A_371 = arith.index_cast %swap3A_370 : i32 to index
    %swap3A_372 = arith.constant 0 : index
    %swap3A_373 = tpu.vector_load %arg9[%swap3A_371, %swap3A_372] {strides = array<i32>} : memref<4x128xf32, #tpu.memory_space<vmem>>, vector<1x16xf32>,
    %swap3A_374 = vector.shape_cast %swap3A_373 : vector<1x16xf32> to vector<16xf32>
    %swap3A_375 = vector.shape_cast %add3A_369 : vector<16xf32> to vector<1x16xf32>
    tpu.vector_store %arg9[%swap3A_371, %swap3A_372], %swap3A_375 {strides = array<i32>} : memref<4x128xf32, #tpu.memory_space<vmem>>, vector<1x16xf32>,
    %get3A_376 = arith.constant 1 : i32
    %get3A_377 = arith.index_cast %get3A_376 : i32 to index
    %get3A_378 = arith.constant 16 : index
    %get3A_379 = tpu.vector_load %arg9[%get3A_377, %get3A_378] {strides = array<i32>} : memref<4x128xf32, #tpu.memory_space<vmem>>, vector<1x16xf32>,
    %get3A_380 = vector.shape_cast %get3A_379 : vector<1x16xf32> to vector<16xf32>
    %get3A_381 = arith.constant 1 : i32
    %get3A_382 = arith.index_cast %get3A_381 : i32 to index
    %get3A_383 = arith.constant 16 : index
    %get3A_384 = tpu.vector_load %arg10[%get3A_382, %get3A_383] {strides = array<i32>} : memref<4x128xf32, #tpu.memory_space<vmem>>, vector<1x16xf32>,
    %get3A_385 = vector.shape_cast %get3A_384 : vector<1x16xf32> to vector<16xf32>
    %add3A_386 = arith.addf %get3A_380, %get3A_385 : vector<16xf32>
    %swap3A_387 = arith.constant 1 : i32
    %swap3A_388 = arith.index_cast %swap3A_387 : i32 to index
    %swap3A_389 = arith.constant 16 : index
    %swap3A_390 = tpu.vector_load %arg9[%swap3A_388, %swap3A_389] {strides = array<i32>} : memref<4x128xf32, #tpu.memory_space<vmem>>, vector<1x16xf32>,
    %swap3A_391 = vector.shape_cast %swap3A_390 : vector<1x16xf32> to vector<16xf32>
    %swap3A_392 = vector.shape_cast %add3A_386 : vector<16xf32> to vector<1x16xf32>
    tpu.vector_store %arg9[%swap3A_388, %swap3A_389], %swap3A_392 {strides = array<i32>} : memref<4x128xf32, #tpu.memory_space<vmem>>, vector<1x16xf32>,
    %get3A_393 = arith.constant 1 : i32
    %get3A_394 = arith.index_cast %get3A_393 : i32 to index
    %get3A_395 = arith.constant 32 : index
    %get3A_396 = tpu.vector_load %arg9[%get3A_394, %get3A_395] {strides = array<i32>} : memref<4x128xf32, #tpu.memory_space<vmem>>, vector<1x16xf32>,
    %get3A_397 = vector.shape_cast %get3A_396 : vector<1x16xf32> to vector<16xf32>
    %get3A_398 = arith.constant 1 : i32
    %get3A_399 = arith.index_cast %get3A_398 : i32 to index
    %get3A_400 = arith.constant 32 : index
    %get3A_401 = tpu.vector_load %arg10[%get3A_399, %get3A_400] {strides = array<i32>} : memref<4x128xf32, #tpu.memory_space<vmem>>, vector<1x16xf32>,
    %get3A_402 = vector.shape_cast %get3A_401 : vector<1x16xf32> to vector<16xf32>
    %add3A_403 = arith.addf %get3A_397, %get3A_402 : vector<16xf32>
    %swap3A_404 = arith.constant 1 : i32
    %swap3A_405 = arith.index_cast %swap3A_404 : i32 to index
    %swap3A_406 = arith.constant 32 : index
    %swap3A_407 = tpu.vector_load %arg9[%swap3A_405, %swap3A_406] {strides = array<i32>} : memref<4x128xf32, #tpu.memory_space<vmem>>, vector<1x16xf32>,
    %swap3A_408 = vector.shape_cast %swap3A_407 : vector<1x16xf32> to vector<16xf32>
    %swap3A_409 = vector.shape_cast %add3A_403 : vector<16xf32> to vector<1x16xf32>
    tpu.vector_store %arg9[%swap3A_405, %swap3A_406], %swap3A_409 {strides = array<i32>} : memref<4x128xf32, #tpu.memory_space<vmem>>, vector<1x16xf32>,
    %get3A_410 = arith.constant 1 : i32
    %get3A_411 = arith.index_cast %get3A_410 : i32 to index
    %get3A_412 = arith.constant 48 : index
    %get3A_413 = tpu.vector_load %arg9[%get3A_411, %get3A_412] {strides = array<i32>} : memref<4x128xf32, #tpu.memory_space<vmem>>, vector<1x16xf32>,
    %get3A_414 = vector.shape_cast %get3A_413 : vector<1x16xf32> to vector<16xf32>
    %get3A_415 = arith.constant 1 : i32
    %get3A_416 = arith.index_cast %get3A_415 : i32 to index
    %get3A_417 = arith.constant 48 : index
    %get3A_418 = tpu.vector_load %arg10[%get3A_416, %get3A_417] {strides = array<i32>} : memref<4x128xf32, #tpu.memory_space<vmem>>, vector<1x16xf32>,
    %get3A_419 = vector.shape_cast %get3A_418 : vector<1x16xf32> to vector<16xf32>
    %add3A_420 = arith.addf %get3A_414, %get3A_419 : vector<16xf32>
    %swap3A_421 = arith.constant 1 : i32
    %swap3A_422 = arith.index_cast %swap3A_421 : i32 to index
    %swap3A_423 = arith.constant 48 : index
    %swap3A_424 = tpu.vector_load %arg9[%swap3A_422, %swap3A_423] {strides = array<i32>} : memref<4x128xf32, #tpu.memory_space<vmem>>, vector<1x16xf32>,
    %swap3A_425 = vector.shape_cast %swap3A_424 : vector<1x16xf32> to vector<16xf32>
    %swap3A_426 = vector.shape_cast %add3A_420 : vector<16xf32> to vector<1x16xf32>
    tpu.vector_store %arg9[%swap3A_422, %swap3A_423], %swap3A_426 {strides = array<i32>} : memref<4x128xf32, #tpu.memory_space<vmem>>, vector<1x16xf32>,
    %get3A_427 = arith.constant 1 : i32
    %get3A_428 = arith.index_cast %get3A_427 : i32 to index
    %get3A_429 = arith.constant 64 : index
    %get3A_430 = tpu.vector_load %arg9[%get3A_428, %get3A_429] {strides = array<i32>} : memref<4x128xf32, #tpu.memory_space<vmem>>, vector<1x16xf32>,
    %get3A_431 = vector.shape_cast %get3A_430 : vector<1x16xf32> to vector<16xf32>
    %get3A_432 = arith.constant 1 : i32
    %get3A_433 = arith.index_cast %get3A_432 : i32 to index
    %get3A_434 = arith.constant 64 : index
    %get3A_435 = tpu.vector_load %arg10[%get3A_433, %get3A_434] {strides = array<i32>} : memref<4x128xf32, #tpu.memory_space<vmem>>, vector<1x16xf32>,
    %get3A_436 = vector.shape_cast %get3A_435 : vector<1x16xf32> to vector<16xf32>
    %add3A_437 = arith.addf %get3A_431, %get3A_436 : vector<16xf32>
    %swap3A_438 = arith.constant 1 : i32
    %swap3A_439 = arith.index_cast %swap3A_438 : i32 to index
    %swap3A_440 = arith.constant 64 : index
    %swap3A_441 = tpu.vector_load %arg9[%swap3A_439, %swap3A_440] {strides = array<i32>} : memref<4x128xf32, #tpu.memory_space<vmem>>, vector<1x16xf32>,
    %swap3A_442 = vector.shape_cast %swap3A_441 : vector<1x16xf32> to vector<16xf32>
    %swap3A_443 = vector.shape_cast %add3A_437 : vector<16xf32> to vector<1x16xf32>
    tpu.vector_store %arg9[%swap3A_439, %swap3A_440], %swap3A_443 {strides = array<i32>} : memref<4x128xf32, #tpu.memory_space<vmem>>, vector<1x16xf32>,
    %get3A_444 = arith.constant 1 : i32
    %get3A_445 = arith.index_cast %get3A_444 : i32 to index
    %get3A_446 = arith.constant 80 : index
    %get3A_447 = tpu.vector_load %arg9[%get3A_445, %get3A_446] {strides = array<i32>} : memref<4x128xf32, #tpu.memory_space<vmem>>, vector<1x16xf32>,
    %get3A_448 = vector.shape_cast %get3A_447 : vector<1x16xf32> to vector<16xf32>
    %get3A_449 = arith.constant 1 : i32
    %get3A_450 = arith.index_cast %get3A_449 : i32 to index
    %get3A_451 = arith.constant 80 : index
    %get3A_452 = tpu.vector_load %arg10[%get3A_450, %get3A_451] {strides = array<i32>} : memref<4x128xf32, #tpu.memory_space<vmem>>, vector<1x16xf32>,
    %get3A_453 = vector.shape_cast %get3A_452 : vector<1x16xf32> to vector<16xf32>
    %add3A_454 = arith.addf %get3A_448, %get3A_453 : vector<16xf32>
    %swap3A_455 = arith.constant 1 : i32
    %swap3A_456 = arith.index_cast %swap3A_455 : i32 to index
    %swap3A_457 = arith.constant 80 : index
    %swap3A_458 = tpu.vector_load %arg9[%swap3A_456, %swap3A_457] {strides = array<i32>} : memref<4x128xf32, #tpu.memory_space<vmem>>, vector<1x16xf32>,
    %swap3A_459 = vector.shape_cast %swap3A_458 : vector<1x16xf32> to vector<16xf32>
    %swap3A_460 = vector.shape_cast %add3A_454 : vector<16xf32> to vector<1x16xf32>
    tpu.vector_store %arg9[%swap3A_456, %swap3A_457], %swap3A_460 {strides = array<i32>} : memref<4x128xf32, #tpu.memory_space<vmem>>, vector<1x16xf32>,
    %get3A_461 = arith.constant 1 : i32
    %get3A_462 = arith.index_cast %get3A_461 : i32 to index
    %get3A_463 = arith.constant 96 : index
    %get3A_464 = tpu.vector_load %arg9[%get3A_462, %get3A_463] {strides = array<i32>} : memref<4x128xf32, #tpu.memory_space<vmem>>, vector<1x16xf32>,
    %get3A_465 = vector.shape_cast %get3A_464 : vector<1x16xf32> to vector<16xf32>
    %get3A_466 = arith.constant 1 : i32
    %get3A_467 = arith.index_cast %get3A_466 : i32 to index
    %get3A_468 = arith.constant 96 : index
    %get3A_469 = tpu.vector_load %arg10[%get3A_467, %get3A_468] {strides = array<i32>} : memref<4x128xf32, #tpu.memory_space<vmem>>, vector<1x16xf32>,
    %get3A_470 = vector.shape_cast %get3A_469 : vector<1x16xf32> to vector<16xf32>
    %add3A_471 = arith.addf %get3A_465, %get3A_470 : vector<16xf32>
    %swap3A_472 = arith.constant 1 : i32
    %swap3A_473 = arith.index_cast %swap3A_472 : i32 to index
    %swap3A_474 = arith.constant 96 : index
    %swap3A_475 = tpu.vector_load %arg9[%swap3A_473, %swap3A_474] {strides = array<i32>} : memref<4x128xf32, #tpu.memory_space<vmem>>, vector<1x16xf32>,
    %swap3A_476 = vector.shape_cast %swap3A_475 : vector<1x16xf32> to vector<16xf32>
    %swap3A_477 = vector.shape_cast %add3A_471 : vector<16xf32> to vector<1x16xf32>
    tpu.vector_store %arg9[%swap3A_473, %swap3A_474], %swap3A_477 {strides = array<i32>} : memref<4x128xf32, #tpu.memory_space<vmem>>, vector<1x16xf32>,
    %get3A_478 = arith.constant 1 : i32
    %get3A_479 = arith.index_cast %get3A_478 : i32 to index
    %get3A_480 = arith.constant 112 : index
    %get3A_481 = tpu.vector_load %arg9[%get3A_479, %get3A_480] {strides = array<i32>} : memref<4x128xf32, #tpu.memory_space<vmem>>, vector<1x16xf32>,
    %get3A_482 = vector.shape_cast %get3A_481 : vector<1x16xf32> to vector<16xf32>
    %get3A_483 = arith.constant 1 : i32
    %get3A_484 = arith.index_cast %get3A_483 : i32 to index
    %get3A_485 = arith.constant 112 : index
    %get3A_486 = tpu.vector_load %arg10[%get3A_484, %get3A_485] {strides = array<i32>} : memref<4x128xf32, #tpu.memory_space<vmem>>, vector<1x16xf32>,
    %get3A_487 = vector.shape_cast %get3A_486 : vector<1x16xf32> to vector<16xf32>
    %add3A_488 = arith.addf %get3A_482, %get3A_487 : vector<16xf32>
    %swap3A_489 = arith.constant 1 : i32
    %swap3A_490 = arith.index_cast %swap3A_489 : i32 to index
    %swap3A_491 = arith.constant 112 : index
    %swap3A_492 = tpu.vector_load %arg9[%swap3A_490, %swap3A_491] {strides = array<i32>} : memref<4x128xf32, #tpu.memory_space<vmem>>, vector<1x16xf32>,
    %swap3A_493 = vector.shape_cast %swap3A_492 : vector<1x16xf32> to vector<16xf32>
    %swap3A_494 = vector.shape_cast %add3A_488 : vector<16xf32> to vector<1x16xf32>
    tpu.vector_store %arg9[%swap3A_490, %swap3A_491], %swap3A_494 {strides = array<i32>} : memref<4x128xf32, #tpu.memory_space<vmem>>, vector<1x16xf32>,
    %get3A_495 = arith.constant 2 : i32
    %get3A_496 = arith.index_cast %get3A_495 : i32 to index
    %get3A_497 = arith.constant 0 : index
    %get3A_498 = tpu.vector_load %arg9[%get3A_496, %get3A_497] {strides = array<i32>} : memref<4x128xf32, #tpu.memory_space<vmem>>, vector<1x16xf32>,
    %get3A_499 = vector.shape_cast %get3A_498 : vector<1x16xf32> to vector<16xf32>
    %get3A_500 = arith.constant 2 : i32
    %get3A_501 = arith.index_cast %get3A_500 : i32 to index
    %get3A_502 = arith.constant 0 : index
    %get3A_503 = tpu.vector_load %arg10[%get3A_501, %get3A_502] {strides = array<i32>} : memref<4x128xf32, #tpu.memory_space<vmem>>, vector<1x16xf32>,
    %get3A_504 = vector.shape_cast %get3A_503 : vector<1x16xf32> to vector<16xf32>
    %add3A_505 = arith.addf %get3A_499, %get3A_504 : vector<16xf32>
    %swap3A_506 = arith.constant 2 : i32
    %swap3A_507 = arith.index_cast %swap3A_506 : i32 to index
    %swap3A_508 = arith.constant 0 : index
    %swap3A_509 = tpu.vector_load %arg9[%swap3A_507, %swap3A_508] {strides = array<i32>} : memref<4x128xf32, #tpu.memory_space<vmem>>, vector<1x16xf32>,
    %swap3A_510 = vector.shape_cast %swap3A_509 : vector<1x16xf32> to vector<16xf32>
    %swap3A_511 = vector.shape_cast %add3A_505 : vector<16xf32> to vector<1x16xf32>
    tpu.vector_store %arg9[%swap3A_507, %swap3A_508], %swap3A_511 {strides = array<i32>} : memref<4x128xf32, #tpu.memory_space<vmem>>, vector<1x16xf32>,
    %get3A_512 = arith.constant 2 : i32
    %get3A_513 = arith.index_cast %get3A_512 : i32 to index
    %get3A_514 = arith.constant 16 : index
    %get3A_515 = tpu.vector_load %arg9[%get3A_513, %get3A_514] {strides = array<i32>} : memref<4x128xf32, #tpu.memory_space<vmem>>, vector<1x16xf32>,
    %get3A_516 = vector.shape_cast %get3A_515 : vector<1x16xf32> to vector<16xf32>
    %get3A_517 = arith.constant 2 : i32
    %get3A_518 = arith.index_cast %get3A_517 : i32 to index
    %get3A_519 = arith.constant 16 : index
    %get3A_520 = tpu.vector_load %arg10[%get3A_518, %get3A_519] {strides = array<i32>} : memref<4x128xf32, #tpu.memory_space<vmem>>, vector<1x16xf32>,
    %get3A_521 = vector.shape_cast %get3A_520 : vector<1x16xf32> to vector<16xf32>
    %add3A_522 = arith.addf %get3A_516, %get3A_521 : vector<16xf32>
    %swap3A_523 = arith.constant 2 : i32
    %swap3A_524 = arith.index_cast %swap3A_523 : i32 to index
    %swap3A_525 = arith.constant 16 : index
    %swap3A_526 = tpu.vector_load %arg9[%swap3A_524, %swap3A_525] {strides = array<i32>} : memref<4x128xf32, #tpu.memory_space<vmem>>, vector<1x16xf32>,
    %swap3A_527 = vector.shape_cast %swap3A_526 : vector<1x16xf32> to vector<16xf32>
    %swap3A_528 = vector.shape_cast %add3A_522 : vector<16xf32> to vector<1x16xf32>
    tpu.vector_store %arg9[%swap3A_524, %swap3A_525], %swap3A_528 {strides = array<i32>} : memref<4x128xf32, #tpu.memory_space<vmem>>, vector<1x16xf32>,
    %get3A_529 = arith.constant 2 : i32
    %get3A_530 = arith.index_cast %get3A_529 : i32 to index
    %get3A_531 = arith.constant 32 : index
    %get3A_532 = tpu.vector_load %arg9[%get3A_530, %get3A_531] {strides = array<i32>} : memref<4x128xf32, #tpu.memory_space<vmem>>, vector<1x16xf32>,
    %get3A_533 = vector.shape_cast %get3A_532 : vector<1x16xf32> to vector<16xf32>
    %get3A_534 = arith.constant 2 : i32
    %get3A_535 = arith.index_cast %get3A_534 : i32 to index
    %get3A_536 = arith.constant 32 : index
    %get3A_537 = tpu.vector_load %arg10[%get3A_535, %get3A_536] {strides = array<i32>} : memref<4x128xf32, #tpu.memory_space<vmem>>, vector<1x16xf32>,
    %get3A_538 = vector.shape_cast %get3A_537 : vector<1x16xf32> to vector<16xf32>
    %add3A_539 = arith.addf %get3A_533, %get3A_538 : vector<16xf32>
    %swap3A_540 = arith.constant 2 : i32
    %swap3A_541 = arith.index_cast %swap3A_540 : i32 to index
    %swap3A_542 = arith.constant 32 : index
    %swap3A_543 = tpu.vector_load %arg9[%swap3A_541, %swap3A_542] {strides = array<i32>} : memref<4x128xf32, #tpu.memory_space<vmem>>, vector<1x16xf32>,
    %swap3A_544 = vector.shape_cast %swap3A_543 : vector<1x16xf32> to vector<16xf32>
    %swap3A_545 = vector.shape_cast %add3A_539 : vector<16xf32> to vector<1x16xf32>
    tpu.vector_store %arg9[%swap3A_541, %swap3A_542], %swap3A_545 {strides = array<i32>} : memref<4x128xf32, #tpu.memory_space<vmem>>, vector<1x16xf32>,
    %get3A_546 = arith.constant 2 : i32
    %get3A_547 = arith.index_cast %get3A_546 : i32 to index
    %get3A_548 = arith.constant 48 : index
    %get3A_549 = tpu.vector_load %arg9[%get3A_547, %get3A_548] {strides = array<i32>} : memref<4x128xf32, #tpu.memory_space<vmem>>, vector<1x16xf32>,
    %get3A_550 = vector.shape_cast %get3A_549 : vector<1x16xf32> to vector<16xf32>
    %get3A_551 = arith.constant 2 : i32
    %get3A_552 = arith.index_cast %get3A_551 : i32 to index
    %get3A_553 = arith.constant 48 : index
    %get3A_554 = tpu.vector_load %arg10[%get3A_552, %get3A_553] {strides = array<i32>} : memref<4x128xf32, #tpu.memory_space<vmem>>, vector<1x16xf32>,
    %get3A_555 = vector.shape_cast %get3A_554 : vector<1x16xf32> to vector<16xf32>
    %add3A_556 = arith.addf %get3A_550, %get3A_555 : vector<16xf32>
    %swap3A_557 = arith.constant 2 : i32
    %swap3A_558 = arith.index_cast %swap3A_557 : i32 to index
    %swap3A_559 = arith.constant 48 : index
    %swap3A_560 = tpu.vector_load %arg9[%swap3A_558, %swap3A_559] {strides = array<i32>} : memref<4x128xf32, #tpu.memory_space<vmem>>, vector<1x16xf32>,
    %swap3A_561 = vector.shape_cast %swap3A_560 : vector<1x16xf32> to vector<16xf32>
    %swap3A_562 = vector.shape_cast %add3A_556 : vector<16xf32> to vector<1x16xf32>
    tpu.vector_store %arg9[%swap3A_558, %swap3A_559], %swap3A_562 {strides = array<i32>} : memref<4x128xf32, #tpu.memory_space<vmem>>, vector<1x16xf32>,
    %get3A_563 = arith.constant 2 : i32
    %get3A_564 = arith.index_cast %get3A_563 : i32 to index
    %get3A_565 = arith.constant 64 : index
    %get3A_566 = tpu.vector_load %arg9[%get3A_564, %get3A_565] {strides = array<i32>} : memref<4x128xf32, #tpu.memory_space<vmem>>, vector<1x16xf32>,
    %get3A_567 = vector.shape_cast %get3A_566 : vector<1x16xf32> to vector<16xf32>
    %get3A_568 = arith.constant 2 : i32
    %get3A_569 = arith.index_cast %get3A_568 : i32 to index
    %get3A_570 = arith.constant 64 : index
    %get3A_571 = tpu.vector_load %arg10[%get3A_569, %get3A_570] {strides = array<i32>} : memref<4x128xf32, #tpu.memory_space<vmem>>, vector<1x16xf32>,
    %get3A_572 = vector.shape_cast %get3A_571 : vector<1x16xf32> to vector<16xf32>
    %add3A_573 = arith.addf %get3A_567, %get3A_572 : vector<16xf32>
    %swap3A_574 = arith.constant 2 : i32
    %swap3A_575 = arith.index_cast %swap3A_574 : i32 to index
    %swap3A_576 = arith.constant 64 : index
    %swap3A_577 = tpu.vector_load %arg9[%swap3A_575, %swap3A_576] {strides = array<i32>} : memref<4x128xf32, #tpu.memory_space<vmem>>, vector<1x16xf32>,
    %swap3A_578 = vector.shape_cast %swap3A_577 : vector<1x16xf32> to vector<16xf32>
    %swap3A_579 = vector.shape_cast %add3A_573 : vector<16xf32> to vector<1x16xf32>
    tpu.vector_store %arg9[%swap3A_575, %swap3A_576], %swap3A_579 {strides = array<i32>} : memref<4x128xf32, #tpu.memory_space<vmem>>, vector<1x16xf32>,
    %get3A_580 = arith.constant 2 : i32
    %get3A_581 = arith.index_cast %get3A_580 : i32 to index
    %get3A_582 = arith.constant 80 : index
    %get3A_583 = tpu.vector_load %arg9[%get3A_581, %get3A_582] {strides = array<i32>} : memref<4x128xf32, #tpu.memory_space<vmem>>, vector<1x16xf32>,
    %get3A_584 = vector.shape_cast %get3A_583 : vector<1x16xf32> to vector<16xf32>
    %get3A_585 = arith.constant 2 : i32
    %get3A_586 = arith.index_cast %get3A_585 : i32 to index
    %get3A_587 = arith.constant 80 : index
    %get3A_588 = tpu.vector_load %arg10[%get3A_586, %get3A_587] {strides = array<i32>} : memref<4x128xf32, #tpu.memory_space<vmem>>, vector<1x16xf32>,
    %get3A_589 = vector.shape_cast %get3A_588 : vector<1x16xf32> to vector<16xf32>
    %add3A_590 = arith.addf %get3A_584, %get3A_589 : vector<16xf32>
    %swap3A_591 = arith.constant 2 : i32
    %swap3A_592 = arith.index_cast %swap3A_591 : i32 to index
    %swap3A_593 = arith.constant 80 : index
    %swap3A_594 = tpu.vector_load %arg9[%swap3A_592, %swap3A_593] {strides = array<i32>} : memref<4x128xf32, #tpu.memory_space<vmem>>, vector<1x16xf32>,
    %swap3A_595 = vector.shape_cast %swap3A_594 : vector<1x16xf32> to vector<16xf32>
    %swap3A_596 = vector.shape_cast %add3A_590 : vector<16xf32> to vector<1x16xf32>
    tpu.vector_store %arg9[%swap3A_592, %swap3A_593], %swap3A_596 {strides = array<i32>} : memref<4x128xf32, #tpu.memory_space<vmem>>, vector<1x16xf32>,
    %get3A_597 = arith.constant 2 : i32
    %get3A_598 = arith.index_cast %get3A_597 : i32 to index
    %get3A_599 = arith.constant 96 : index
    %get3A_600 = tpu.vector_load %arg9[%get3A_598, %get3A_599] {strides = array<i32>} : memref<4x128xf32, #tpu.memory_space<vmem>>, vector<1x16xf32>,
    %get3A_601 = vector.shape_cast %get3A_600 : vector<1x16xf32> to vector<16xf32>
    %get3A_602 = arith.constant 2 : i32
    %get3A_603 = arith.index_cast %get3A_602 : i32 to index
    %get3A_604 = arith.constant 96 : index
    %get3A_605 = tpu.vector_load %arg10[%get3A_603, %get3A_604] {strides = array<i32>} : memref<4x128xf32, #tpu.memory_space<vmem>>, vector<1x16xf32>,
    %get3A_606 = vector.shape_cast %get3A_605 : vector<1x16xf32> to vector<16xf32>
    %add3A_607 = arith.addf %get3A_601, %get3A_606 : vector<16xf32>
    %swap3A_608 = arith.constant 2 : i32
    %swap3A_609 = arith.index_cast %swap3A_608 : i32 to index
    %swap3A_610 = arith.constant 96 : index
    %swap3A_611 = tpu.vector_load %arg9[%swap3A_609, %swap3A_610] {strides = array<i32>} : memref<4x128xf32, #tpu.memory_space<vmem>>, vector<1x16xf32>,
    %swap3A_612 = vector.shape_cast %swap3A_611 : vector<1x16xf32> to vector<16xf32>
    %swap3A_613 = vector.shape_cast %add3A_607 : vector<16xf32> to vector<1x16xf32>
    tpu.vector_store %arg9[%swap3A_609, %swap3A_610], %swap3A_613 {strides = array<i32>} : memref<4x128xf32, #tpu.memory_space<vmem>>, vector<1x16xf32>,
    %get3A_614 = arith.constant 2 : i32
    %get3A_615 = arith.index_cast %get3A_614 : i32 to index
    %get3A_616 = arith.constant 112 : index
    %get3A_617 = tpu.vector_load %arg9[%get3A_615, %get3A_616] {strides = array<i32>} : memref<4x128xf32, #tpu.memory_space<vmem>>, vector<1x16xf32>,
    %get3A_618 = vector.shape_cast %get3A_617 : vector<1x16xf32> to vector<16xf32>
    %get3A_619 = arith.constant 2 : i32
    %get3A_620 = arith.index_cast %get3A_619 : i32 to index
    %get3A_621 = arith.constant 112 : index
    %get3A_622 = tpu.vector_load %arg10[%get3A_620, %get3A_621] {strides = array<i32>} : memref<4x128xf32, #tpu.memory_space<vmem>>, vector<1x16xf32>,
    %get3A_623 = vector.shape_cast %get3A_622 : vector<1x16xf32> to vector<16xf32>
    %add3A_624 = arith.addf %get3A_618, %get3A_623 : vector<16xf32>
    %swap3A_625 = arith.constant 2 : i32
    %swap3A_626 = arith.index_cast %swap3A_625 : i32 to index
    %swap3A_627 = arith.constant 112 : index
    %swap3A_628 = tpu.vector_load %arg9[%swap3A_626, %swap3A_627] {strides = array<i32>} : memref<4x128xf32, #tpu.memory_space<vmem>>, vector<1x16xf32>,
    %swap3A_629 = vector.shape_cast %swap3A_628 : vector<1x16xf32> to vector<16xf32>
    %swap3A_630 = vector.shape_cast %add3A_624 : vector<16xf32> to vector<1x16xf32>
    tpu.vector_store %arg9[%swap3A_626, %swap3A_627], %swap3A_630 {strides = array<i32>} : memref<4x128xf32, #tpu.memory_space<vmem>>, vector<1x16xf32>,
    %get3A_631 = arith.constant 3 : i32
    %get3A_632 = arith.index_cast %get3A_631 : i32 to index
    %get3A_633 = arith.constant 0 : index
    %get3A_634 = tpu.vector_load %arg9[%get3A_632, %get3A_633] {strides = array<i32>} : memref<4x128xf32, #tpu.memory_space<vmem>>, vector<1x16xf32>,
    %get3A_635 = vector.shape_cast %get3A_634 : vector<1x16xf32> to vector<16xf32>
    %get3A_636 = arith.constant 3 : i32
    %get3A_637 = arith.index_cast %get3A_636 : i32 to index
    %get3A_638 = arith.constant 0 : index
    %get3A_639 = tpu.vector_load %arg10[%get3A_637, %get3A_638] {strides = array<i32>} : memref<4x128xf32, #tpu.memory_space<vmem>>, vector<1x16xf32>,
    %get3A_640 = vector.shape_cast %get3A_639 : vector<1x16xf32> to vector<16xf32>
    %add3A_641 = arith.addf %get3A_635, %get3A_640 : vector<16xf32>
    %swap3A_642 = arith.constant 3 : i32
    %swap3A_643 = arith.index_cast %swap3A_642 : i32 to index
    %swap3A_644 = arith.constant 0 : index
    %swap3A_645 = tpu.vector_load %arg9[%swap3A_643, %swap3A_644] {strides = array<i32>} : memref<4x128xf32, #tpu.memory_space<vmem>>, vector<1x16xf32>,
    %swap3A_646 = vector.shape_cast %swap3A_645 : vector<1x16xf32> to vector<16xf32>
    %swap3A_647 = vector.shape_cast %add3A_641 : vector<16xf32> to vector<1x16xf32>
    tpu.vector_store %arg9[%swap3A_643, %swap3A_644], %swap3A_647 {strides = array<i32>} : memref<4x128xf32, #tpu.memory_space<vmem>>, vector<1x16xf32>,
    %get3A_648 = arith.constant 3 : i32
    %get3A_649 = arith.index_cast %get3A_648 : i32 to index
    %get3A_650 = arith.constant 16 : index
    %get3A_651 = tpu.vector_load %arg9[%get3A_649, %get3A_650] {strides = array<i32>} : memref<4x128xf32, #tpu.memory_space<vmem>>, vector<1x16xf32>,
    %get3A_652 = vector.shape_cast %get3A_651 : vector<1x16xf32> to vector<16xf32>
    %get3A_653 = arith.constant 3 : i32
    %get3A_654 = arith.index_cast %get3A_653 : i32 to index
    %get3A_655 = arith.constant 16 : index
    %get3A_656 = tpu.vector_load %arg10[%get3A_654, %get3A_655] {strides = array<i32>} : memref<4x128xf32, #tpu.memory_space<vmem>>, vector<1x16xf32>,
    %get3A_657 = vector.shape_cast %get3A_656 : vector<1x16xf32> to vector<16xf32>
    %add3A_658 = arith.addf %get3A_652, %get3A_657 : vector<16xf32>
    %swap3A_659 = arith.constant 3 : i32
    %swap3A_660 = arith.index_cast %swap3A_659 : i32 to index
    %swap3A_661 = arith.constant 16 : index
    %swap3A_662 = tpu.vector_load %arg9[%swap3A_660, %swap3A_661] {strides = array<i32>} : memref<4x128xf32, #tpu.memory_space<vmem>>, vector<1x16xf32>,
    %swap3A_663 = vector.shape_cast %swap3A_662 : vector<1x16xf32> to vector<16xf32>
    %swap3A_664 = vector.shape_cast %add3A_658 : vector<16xf32> to vector<1x16xf32>
    tpu.vector_store %arg9[%swap3A_660, %swap3A_661], %swap3A_664 {strides = array<i32>} : memref<4x128xf32, #tpu.memory_space<vmem>>, vector<1x16xf32>,
    %get3A_665 = arith.constant 3 : i32
    %get3A_666 = arith.index_cast %get3A_665 : i32 to index
    %get3A_667 = arith.constant 32 : index
    %get3A_668 = tpu.vector_load %arg9[%get3A_666, %get3A_667] {strides = array<i32>} : memref<4x128xf32, #tpu.memory_space<vmem>>, vector<1x16xf32>,
    %get3A_669 = vector.shape_cast %get3A_668 : vector<1x16xf32> to vector<16xf32>
    %get3A_670 = arith.constant 3 : i32
    %get3A_671 = arith.index_cast %get3A_670 : i32 to index
    %get3A_672 = arith.constant 32 : index
    %get3A_673 = tpu.vector_load %arg10[%get3A_671, %get3A_672] {strides = array<i32>} : memref<4x128xf32, #tpu.memory_space<vmem>>, vector<1x16xf32>,
    %get3A_674 = vector.shape_cast %get3A_673 : vector<1x16xf32> to vector<16xf32>
    %add3A_675 = arith.addf %get3A_669, %get3A_674 : vector<16xf32>
    %swap3A_676 = arith.constant 3 : i32
    %swap3A_677 = arith.index_cast %swap3A_676 : i32 to index
    %swap3A_678 = arith.constant 32 : index
    %swap3A_679 = tpu.vector_load %arg9[%swap3A_677, %swap3A_678] {strides = array<i32>} : memref<4x128xf32, #tpu.memory_space<vmem>>, vector<1x16xf32>,
    %swap3A_680 = vector.shape_cast %swap3A_679 : vector<1x16xf32> to vector<16xf32>
    %swap3A_681 = vector.shape_cast %add3A_675 : vector<16xf32> to vector<1x16xf32>
    tpu.vector_store %arg9[%swap3A_677, %swap3A_678], %swap3A_681 {strides = array<i32>} : memref<4x128xf32, #tpu.memory_space<vmem>>, vector<1x16xf32>,
    %get3A_682 = arith.constant 3 : i32
    %get3A_683 = arith.index_cast %get3A_682 : i32 to index
    %get3A_684 = arith.constant 48 : index
    %get3A_685 = tpu.vector_load %arg9[%get3A_683, %get3A_684] {strides = array<i32>} : memref<4x128xf32, #tpu.memory_space<vmem>>, vector<1x16xf32>,
    %get3A_686 = vector.shape_cast %get3A_685 : vector<1x16xf32> to vector<16xf32>
    %get3A_687 = arith.constant 3 : i32
    %get3A_688 = arith.index_cast %get3A_687 : i32 to index
    %get3A_689 = arith.constant 48 : index
    %get3A_690 = tpu.vector_load %arg10[%get3A_688, %get3A_689] {strides = array<i32>} : memref<4x128xf32, #tpu.memory_space<vmem>>, vector<1x16xf32>,
    %get3A_691 = vector.shape_cast %get3A_690 : vector<1x16xf32> to vector<16xf32>
    %add3A_692 = arith.addf %get3A_686, %get3A_691 : vector<16xf32>
    %swap3A_693 = arith.constant 3 : i32
    %swap3A_694 = arith.index_cast %swap3A_693 : i32 to index
    %swap3A_695 = arith.constant 48 : index
    %swap3A_696 = tpu.vector_load %arg9[%swap3A_694, %swap3A_695] {strides = array<i32>} : memref<4x128xf32, #tpu.memory_space<vmem>>, vector<1x16xf32>,
    %swap3A_697 = vector.shape_cast %swap3A_696 : vector<1x16xf32> to vector<16xf32>
    %swap3A_698 = vector.shape_cast %add3A_692 : vector<16xf32> to vector<1x16xf32>
    tpu.vector_store %arg9[%swap3A_694, %swap3A_695], %swap3A_698 {strides = array<i32>} : memref<4x128xf32, #tpu.memory_space<vmem>>, vector<1x16xf32>,
    %get3A_699 = arith.constant 3 : i32
    %get3A_700 = arith.index_cast %get3A_699 : i32 to index
    %get3A_701 = arith.constant 64 : index
    %get3A_702 = tpu.vector_load %arg9[%get3A_700, %get3A_701] {strides = array<i32>} : memref<4x128xf32, #tpu.memory_space<vmem>>, vector<1x16xf32>,
    %get3A_703 = vector.shape_cast %get3A_702 : vector<1x16xf32> to vector<16xf32>
    %get3A_704 = arith.constant 3 : i32
    %get3A_705 = arith.index_cast %get3A_704 : i32 to index
    %get3A_706 = arith.constant 64 : index
    %get3A_707 = tpu.vector_load %arg10[%get3A_705, %get3A_706] {strides = array<i32>} : memref<4x128xf32, #tpu.memory_space<vmem>>, vector<1x16xf32>,
    %get3A_708 = vector.shape_cast %get3A_707 : vector<1x16xf32> to vector<16xf32>
    %add3A_709 = arith.addf %get3A_703, %get3A_708 : vector<16xf32>
    %swap3A_710 = arith.constant 3 : i32
    %swap3A_711 = arith.index_cast %swap3A_710 : i32 to index
    %swap3A_712 = arith.constant 64 : index
    %swap3A_713 = tpu.vector_load %arg9[%swap3A_711, %swap3A_712] {strides = array<i32>} : memref<4x128xf32, #tpu.memory_space<vmem>>, vector<1x16xf32>,
    %swap3A_714 = vector.shape_cast %swap3A_713 : vector<1x16xf32> to vector<16xf32>
    %swap3A_715 = vector.shape_cast %add3A_709 : vector<16xf32> to vector<1x16xf32>
    tpu.vector_store %arg9[%swap3A_711, %swap3A_712], %swap3A_715 {strides = array<i32>} : memref<4x128xf32, #tpu.memory_space<vmem>>, vector<1x16xf32>,
    %get3A_716 = arith.constant 3 : i32
    %get3A_717 = arith.index_cast %get3A_716 : i32 to index
    %get3A_718 = arith.constant 80 : index
    %get3A_719 = tpu.vector_load %arg9[%get3A_717, %get3A_718] {strides = array<i32>} : memref<4x128xf32, #tpu.memory_space<vmem>>, vector<1x16xf32>,
    %get3A_720 = vector.shape_cast %get3A_719 : vector<1x16xf32> to vector<16xf32>
    %get3A_721 = arith.constant 3 : i32
    %get3A_722 = arith.index_cast %get3A_721 : i32 to index
    %get3A_723 = arith.constant 80 : index
    %get3A_724 = tpu.vector_load %arg10[%get3A_722, %get3A_723] {strides = array<i32>} : memref<4x128xf32, #tpu.memory_space<vmem>>, vector<1x16xf32>,
    %get3A_725 = vector.shape_cast %get3A_724 : vector<1x16xf32> to vector<16xf32>
    %add3A_726 = arith.addf %get3A_720, %get3A_725 : vector<16xf32>
    %swap3A_727 = arith.constant 3 : i32
    %swap3A_728 = arith.index_cast %swap3A_727 : i32 to index
    %swap3A_729 = arith.constant 80 : index
    %swap3A_730 = tpu.vector_load %arg9[%swap3A_728, %swap3A_729] {strides = array<i32>} : memref<4x128xf32, #tpu.memory_space<vmem>>, vector<1x16xf32>,
    %swap3A_731 = vector.shape_cast %swap3A_730 : vector<1x16xf32> to vector<16xf32>
    %swap3A_732 = vector.shape_cast %add3A_726 : vector<16xf32> to vector<1x16xf32>
    tpu.vector_store %arg9[%swap3A_728, %swap3A_729], %swap3A_732 {strides = array<i32>} : memref<4x128xf32, #tpu.memory_space<vmem>>, vector<1x16xf32>,
    %get3A_733 = arith.constant 3 : i32
    %get3A_734 = arith.index_cast %get3A_733 : i32 to index
    %get3A_735 = arith.constant 96 : index
    %get3A_736 = tpu.vector_load %arg9[%get3A_734, %get3A_735] {strides = array<i32>} : memref<4x128xf32, #tpu.memory_space<vmem>>, vector<1x16xf32>,
    %get3A_737 = vector.shape_cast %get3A_736 : vector<1x16xf32> to vector<16xf32>
    %get3A_738 = arith.constant 3 : i32
    %get3A_739 = arith.index_cast %get3A_738 : i32 to index
    %get3A_740 = arith.constant 96 : index
    %get3A_741 = tpu.vector_load %arg10[%get3A_739, %get3A_740] {strides = array<i32>} : memref<4x128xf32, #tpu.memory_space<vmem>>, vector<1x16xf32>,
    %get3A_742 = vector.shape_cast %get3A_741 : vector<1x16xf32> to vector<16xf32>
    %add3A_743 = arith.addf %get3A_737, %get3A_742 : vector<16xf32>
    %swap3A_744 = arith.constant 3 : i32
    %swap3A_745 = arith.index_cast %swap3A_744 : i32 to index
    %swap3A_746 = arith.constant 96 : index
    %swap3A_747 = tpu.vector_load %arg9[%swap3A_745, %swap3A_746] {strides = array<i32>} : memref<4x128xf32, #tpu.memory_space<vmem>>, vector<1x16xf32>,
    %swap3A_748 = vector.shape_cast %swap3A_747 : vector<1x16xf32> to vector<16xf32>
    %swap3A_749 = vector.shape_cast %add3A_743 : vector<16xf32> to vector<1x16xf32>
    tpu.vector_store %arg9[%swap3A_745, %swap3A_746], %swap3A_749 {strides = array<i32>} : memref<4x128xf32, #tpu.memory_space<vmem>>, vector<1x16xf32>,
    %get3A_750 = arith.constant 3 : i32
    %get3A_751 = arith.index_cast %get3A_750 : i32 to index
    %get3A_752 = arith.constant 112 : index
    %get3A_753 = tpu.vector_load %arg9[%get3A_751, %get3A_752] {strides = array<i32>} : memref<4x128xf32, #tpu.memory_space<vmem>>, vector<1x16xf32>,
    %get3A_754 = vector.shape_cast %get3A_753 : vector<1x16xf32> to vector<16xf32>
    %get3A_755 = arith.constant 3 : i32
    %get3A_756 = arith.index_cast %get3A_755 : i32 to index
    %get3A_757 = arith.constant 112 : index
    %get3A_758 = tpu.vector_load %arg10[%get3A_756, %get3A_757] {strides = array<i32>} : memref<4x128xf32, #tpu.memory_space<vmem>>, vector<1x16xf32>,
    %get3A_759 = vector.shape_cast %get3A_758 : vector<1x16xf32> to vector<16xf32>
    %add3A_760 = arith.addf %get3A_754, %get3A_759 : vector<16xf32>
    %swap3A_761 = arith.constant 3 : i32
    %swap3A_762 = arith.index_cast %swap3A_761 : i32 to index
    %swap3A_763 = arith.constant 112 : index
    %swap3A_764 = tpu.vector_load %arg9[%swap3A_762, %swap3A_763] {strides = array<i32>} : memref<4x128xf32, #tpu.memory_space<vmem>>, vector<1x16xf32>,
    %swap3A_765 = vector.shape_cast %swap3A_764 : vector<1x16xf32> to vector<16xf32>
    %swap3A_766 = vector.shape_cast %add3A_760 : vector<16xf32> to vector<1x16xf32>
    tpu.vector_store %arg9[%swap3A_762, %swap3A_763], %swap3A_766 {strides = array<i32>} : memref<4x128xf32, #tpu.memory_space<vmem>>, vector<1x16xf32>,
    "tpu.region"() ({
      %run_scoped3A = tpu.sem_alloc : memref<!tpu.dma_semaphore, #tpu.memory_space<semaphore_mem>>
      %dma_start3A_767 = arith.constant 0 : i32
      %dma_start3A_768 = tpu.memref_slice %arg6[%mul3A_2, %dma_start3A_767] : memref<128x128xf32, #tpu.memory_space<hbm>> -> memref<4x128xf32, #tpu.memory_space<hbm>>
      %dma_start3A_769 = arith.constant 0 : i32
      %dma_start3A_770 = tpu.memref_slice %arg6[%mul3A_2, %dma_start3A_769] : memref<128x128xf32, #tpu.memory_space<hbm>> -> memref<4x128xf32, #tpu.memory_space<hbm>>
      tpu.enqueue_dma source(%arg9 : memref<4x128xf32, #tpu.memory_space<vmem>>) target(%dma_start3A_770 : memref<4x128xf32, #tpu.memory_space<hbm>>) target_semaphore(%run_scoped3A : memref<!tpu.dma_semaphore, #tpu.memory_space<semaphore_mem>>)
      %dma_wait3A_771 = arith.constant 0 : i32
      %dma_wait3A_772 = tpu.memref_slice %arg6[%mul3A_2, %dma_wait3A_771] : memref<128x128xf32, #tpu.memory_space<hbm>> -> memref<4x128xf32, #tpu.memory_space<hbm>>
      %dma_wait3A_773 = arith.constant 0 : i32
      %dma_wait3A_774 = tpu.memref_slice %arg6[%mul3A_2, %dma_wait3A_773] : memref<128x128xf32, #tpu.memory_space<hbm>> -> memref<4x128xf32, #tpu.memory_space<hbm>>
      tpu.wait_dma2 semaphore(%run_scoped3A : memref<!tpu.dma_semaphore, #tpu.memory_space<semaphore_mem>>) src(%arg9 : memref<4x128xf32, #tpu.memory_space<vmem>>) dst(%dma_wait3A_774 : memref<4x128xf32, #tpu.memory_space<hbm>>)
      tpu.yield
    }) : () -> ()
    return
  }
}

module attributes {stable_mosaic.version = 14 : i64} {
  func.func @_dense_body(%arg0: i32, %arg1: memref<2048x320xf32, #tpu.memory_space<vmem>>, %arg2: memref<2048x320xf32, #tpu.memory_space<vmem>>, %arg3: memref<2048x5xf32, #tpu.memory_space<vmem>>, %arg4: memref<2048x5xf32, #tpu.memory_space<vmem>>, %arg5: memref<2048x1xf32, #tpu.memory_space<vmem>>) attributes {dimension_semantics = [#tpu.dimension_semantics<arbitrary>], iteration_bounds = array<i64: 8>, scalar_prefetch = 0 : i64, scratch_operands = 0 : i64, tpu.core_type = #tpu.core_type<tc>, window_params = [{transform_indices = @transform_0, window_bounds = array<i64: 2048, 320>}, {transform_indices = @transform_1, window_bounds = array<i64: 2048, 320>}, {transform_indices = @transform_2, window_bounds = array<i64: 2048, 5>}, {transform_indices = @transform_3, window_bounds = array<i64: 2048, 5>}, {transform_indices = @transform_4, window_bounds = array<i64: 2048, 1>}]} {
    %get3A = arith.constant 0 : index
    %get3A_0 = arith.constant 0 : index
    %get3A_1 = vector.load %arg1[%get3A, %get3A_0] : memref<2048x320xf32, #tpu.memory_space<vmem>>, vector<2048x64xf32>
    %get3A_2 = arith.constant 0 : index
    %get3A_3 = arith.constant 0 : index
    %get3A_4 = vector.load %arg2[%get3A_2, %get3A_3] : memref<2048x320xf32, #tpu.memory_space<vmem>>, vector<2048x64xf32>
    %mul3A = arith.mulf %get3A_1, %get3A_4 : vector<2048x64xf32>
    %reduce_sum3A = arith.constant dense<0.000000e+00> : vector<2048xf32>
    %reduce_sum3A_5 = vector.multi_reduction <add>, %mul3A, %reduce_sum3A [1] : vector<2048x64xf32> to vector<2048xf32>
    %broadcast_in_dim3A = vector.shape_cast %reduce_sum3A_5 : vector<2048xf32> to vector<2048x1xf32>
    %get3A_6 = arith.constant 0 : index
    %get3A_7 = arith.constant 0 : index
    %get3A_8 = vector.load %arg3[%get3A_6, %get3A_7] : memref<2048x5xf32, #tpu.memory_space<vmem>>, vector<2048x1xf32>
    %get3A_9 = arith.constant 0 : index
    %get3A_10 = arith.constant 0 : index
    %get3A_11 = vector.load %arg4[%get3A_9, %get3A_10] : memref<2048x5xf32, #tpu.memory_space<vmem>>, vector<2048x1xf32>
    %mul3A_12 = arith.mulf %get3A_8, %get3A_11 : vector<2048x1xf32>
    %mul3A_13 = arith.mulf %broadcast_in_dim3A, %mul3A_12 : vector<2048x1xf32>
    %get3A_14 = arith.constant 0 : index
    %get3A_15 = arith.constant 64 : index
    %get3A_16 = vector.load %arg1[%get3A_14, %get3A_15] : memref<2048x320xf32, #tpu.memory_space<vmem>>, vector<2048x64xf32>
    %get3A_17 = arith.constant 0 : index
    %get3A_18 = arith.constant 64 : index
    %get3A_19 = vector.load %arg2[%get3A_17, %get3A_18] : memref<2048x320xf32, #tpu.memory_space<vmem>>, vector<2048x64xf32>
    %mul3A_20 = arith.mulf %get3A_16, %get3A_19 : vector<2048x64xf32>
    %reduce_sum3A_21 = arith.constant dense<0.000000e+00> : vector<2048xf32>
    %reduce_sum3A_22 = vector.multi_reduction <add>, %mul3A_20, %reduce_sum3A_21 [1] : vector<2048x64xf32> to vector<2048xf32>
    %broadcast_in_dim3A_23 = vector.shape_cast %reduce_sum3A_22 : vector<2048xf32> to vector<2048x1xf32>
    %get3A_24 = arith.constant 0 : index
    %get3A_25 = arith.constant 1 : index
    %get3A_26 = vector.load %arg3[%get3A_24, %get3A_25] : memref<2048x5xf32, #tpu.memory_space<vmem>>, vector<2048x1xf32>
    %get3A_27 = arith.constant 0 : index
    %get3A_28 = arith.constant 1 : index
    %get3A_29 = vector.load %arg4[%get3A_27, %get3A_28] : memref<2048x5xf32, #tpu.memory_space<vmem>>, vector<2048x1xf32>
    %mul3A_30 = arith.mulf %get3A_26, %get3A_29 : vector<2048x1xf32>
    %mul3A_31 = arith.mulf %broadcast_in_dim3A_23, %mul3A_30 : vector<2048x1xf32>
    %add3A = arith.addf %mul3A_13, %mul3A_31 : vector<2048x1xf32>
    %get3A_32 = arith.constant 0 : index
    %get3A_33 = arith.constant 128 : index
    %get3A_34 = vector.load %arg1[%get3A_32, %get3A_33] : memref<2048x320xf32, #tpu.memory_space<vmem>>, vector<2048x64xf32>
    %get3A_35 = arith.constant 0 : index
    %get3A_36 = arith.constant 128 : index
    %get3A_37 = vector.load %arg2[%get3A_35, %get3A_36] : memref<2048x320xf32, #tpu.memory_space<vmem>>, vector<2048x64xf32>
    %mul3A_38 = arith.mulf %get3A_34, %get3A_37 : vector<2048x64xf32>
    %reduce_sum3A_39 = arith.constant dense<0.000000e+00> : vector<2048xf32>
    %reduce_sum3A_40 = vector.multi_reduction <add>, %mul3A_38, %reduce_sum3A_39 [1] : vector<2048x64xf32> to vector<2048xf32>
    %broadcast_in_dim3A_41 = vector.shape_cast %reduce_sum3A_40 : vector<2048xf32> to vector<2048x1xf32>
    %get3A_42 = arith.constant 0 : index
    %get3A_43 = arith.constant 2 : index
    %get3A_44 = vector.load %arg3[%get3A_42, %get3A_43] : memref<2048x5xf32, #tpu.memory_space<vmem>>, vector<2048x1xf32>
    %get3A_45 = arith.constant 0 : index
    %get3A_46 = arith.constant 2 : index
    %get3A_47 = vector.load %arg4[%get3A_45, %get3A_46] : memref<2048x5xf32, #tpu.memory_space<vmem>>, vector<2048x1xf32>
    %mul3A_48 = arith.mulf %get3A_44, %get3A_47 : vector<2048x1xf32>
    %mul3A_49 = arith.mulf %broadcast_in_dim3A_41, %mul3A_48 : vector<2048x1xf32>
    %add3A_50 = arith.addf %add3A, %mul3A_49 : vector<2048x1xf32>
    %get3A_51 = arith.constant 0 : index
    %get3A_52 = arith.constant 192 : index
    %get3A_53 = vector.load %arg1[%get3A_51, %get3A_52] : memref<2048x320xf32, #tpu.memory_space<vmem>>, vector<2048x64xf32>
    %get3A_54 = arith.constant 0 : index
    %get3A_55 = arith.constant 192 : index
    %get3A_56 = vector.load %arg2[%get3A_54, %get3A_55] : memref<2048x320xf32, #tpu.memory_space<vmem>>, vector<2048x64xf32>
    %mul3A_57 = arith.mulf %get3A_53, %get3A_56 : vector<2048x64xf32>
    %reduce_sum3A_58 = arith.constant dense<0.000000e+00> : vector<2048xf32>
    %reduce_sum3A_59 = vector.multi_reduction <add>, %mul3A_57, %reduce_sum3A_58 [1] : vector<2048x64xf32> to vector<2048xf32>
    %broadcast_in_dim3A_60 = vector.shape_cast %reduce_sum3A_59 : vector<2048xf32> to vector<2048x1xf32>
    %get3A_61 = arith.constant 0 : index
    %get3A_62 = arith.constant 3 : index
    %get3A_63 = vector.load %arg3[%get3A_61, %get3A_62] : memref<2048x5xf32, #tpu.memory_space<vmem>>, vector<2048x1xf32>
    %get3A_64 = arith.constant 0 : index
    %get3A_65 = arith.constant 3 : index
    %get3A_66 = vector.load %arg4[%get3A_64, %get3A_65] : memref<2048x5xf32, #tpu.memory_space<vmem>>, vector<2048x1xf32>
    %mul3A_67 = arith.mulf %get3A_63, %get3A_66 : vector<2048x1xf32>
    %mul3A_68 = arith.mulf %broadcast_in_dim3A_60, %mul3A_67 : vector<2048x1xf32>
    %add3A_69 = arith.addf %add3A_50, %mul3A_68 : vector<2048x1xf32>
    %get3A_70 = arith.constant 0 : index
    %get3A_71 = arith.constant 256 : index
    %get3A_72 = vector.load %arg1[%get3A_70, %get3A_71] : memref<2048x320xf32, #tpu.memory_space<vmem>>, vector<2048x64xf32>
    %get3A_73 = arith.constant 0 : index
    %get3A_74 = arith.constant 256 : index
    %get3A_75 = vector.load %arg2[%get3A_73, %get3A_74] : memref<2048x320xf32, #tpu.memory_space<vmem>>, vector<2048x64xf32>
    %mul3A_76 = arith.mulf %get3A_72, %get3A_75 : vector<2048x64xf32>
    %reduce_sum3A_77 = arith.constant dense<0.000000e+00> : vector<2048xf32>
    %reduce_sum3A_78 = vector.multi_reduction <add>, %mul3A_76, %reduce_sum3A_77 [1] : vector<2048x64xf32> to vector<2048xf32>
    %broadcast_in_dim3A_79 = vector.shape_cast %reduce_sum3A_78 : vector<2048xf32> to vector<2048x1xf32>
    %get3A_80 = arith.constant 0 : index
    %get3A_81 = arith.constant 4 : index
    %get3A_82 = vector.load %arg3[%get3A_80, %get3A_81] : memref<2048x5xf32, #tpu.memory_space<vmem>>, vector<2048x1xf32>
    %get3A_83 = arith.constant 0 : index
    %get3A_84 = arith.constant 4 : index
    %get3A_85 = vector.load %arg4[%get3A_83, %get3A_84] : memref<2048x5xf32, #tpu.memory_space<vmem>>, vector<2048x1xf32>
    %mul3A_86 = arith.mulf %get3A_82, %get3A_85 : vector<2048x1xf32>
    %mul3A_87 = arith.mulf %broadcast_in_dim3A_79, %mul3A_86 : vector<2048x1xf32>
    %add3A_88 = arith.addf %add3A_69, %mul3A_87 : vector<2048x1xf32>
    %swap3A = arith.constant 0 : index
    %swap3A_89 = arith.constant 0 : index
    %swap3A_90 = vector.load %arg5[%swap3A, %swap3A_89] : memref<2048x1xf32, #tpu.memory_space<vmem>>, vector<2048x1xf32>
    tpu.vector_store %arg5[%swap3A, %swap3A_89], %add3A_88 {strides = array<i32>} : memref<2048x1xf32, #tpu.memory_space<vmem>>, vector<2048x1xf32>,
    return
  }
  func.func @transform_0(%arg0: i32) -> (i32, i32) {
    %c0_i32 = arith.constant 0 : i32
    %c0_i32_0 = arith.constant 0 : i32
    return %arg0, %c0_i32 : i32, i32
  }
  func.func @transform_1(%arg0: i32) -> (i32, i32) {
    %c0_i32 = arith.constant 0 : i32
    %c0_i32_0 = arith.constant 0 : i32
    return %arg0, %c0_i32 : i32, i32
  }
  func.func @transform_2(%arg0: i32) -> (i32, i32) {
    %c0_i32 = arith.constant 0 : i32
    %c0_i32_0 = arith.constant 0 : i32
    return %arg0, %c0_i32 : i32, i32
  }
  func.func @transform_3(%arg0: i32) -> (i32, i32) {
    %c0_i32 = arith.constant 0 : i32
    %c0_i32_0 = arith.constant 0 : i32
    return %arg0, %c0_i32 : i32, i32
  }
  func.func @transform_4(%arg0: i32) -> (i32, i32) {
    %c0_i32 = arith.constant 0 : i32
    %c0_i32_0 = arith.constant 0 : i32
    return %arg0, %c0_i32 : i32, i32
  }
}

</mosaic_0001>

<sc_bundles>
// kernel: kernel.4.cloned.1.call-start
scs
__scs_entry_jumppad:
0x0: {  	(pc) =	sbr.rel $0x88, $3  }
0x1: {  	(tag) =	ssettag $0x0;
	lr =	simm.s32 $0x1  }
0x2: {  	[smem:$0x3F98] =	sst lr;
	_ =	strace $0xD0000000  }
0x3: {  	_ = 	snop  }
0x4: {  	_ = 	snop  }
0x5: {  	_ = 	snop  }
0x6: {  	_ = 	snop  }
0x7: {  	_ = 	snop  }
__scs_overlays_trampoline_lowered:
0x8: {  	[smem:$0x3FA7] =	sst s0  }
0x9: {  	[smem:$0x3FA8] =	sst s1  }
0xa: {  	[smem:$0x3FA9] =	sst s2  }
0xb: {  	[smem:$0x3FAA] =	sst s3  }
0xc: {  	[smem:$0x3FAB] =	sst s4  }
0xd: {  	[smem:$0x3FAC] =	sst s5  }
0xe: {  	[smem:$0x3FAD] =	sst s6  }
0xf: {  	[smem:$0x3FAE] =	sst s7  }
0x10: {  	[smem:$0x3FAF] =	sst s8  }
0x11: {  	[smem:$0x3FB0] =	sst s9;
	s0 =	simm.s32 @!p0 $0x0  }
0x12: {  	s1 =	sld [smem:$0x3F96];
	s0 =	simm.s32 @p0 $0x1  }
0x13: {  	[smem:$0x3FB1] =	sst s0;
	s0 =	simm.s32 @!p1 $0x0  }
0x14: {  	s2 =	sld [smem:$0x3F95];
	s0 =	simm.s32 @p1 $0x1  }
0x15: {  	[smem:$0x3FB2] =	sst s0;
	s0 =	simm.s32 @!p2 $0x0  }
0x16: {  	s3 =	sld [smem:$0x3FDB];
	s0 =	simm.s32 @p2 $0x1  }
0x17: {  	s4 =	simm.s32 $0x1BF5;
	[smem:$0x3FB4] =	sst s0  }
0x18: {  	s0 =	sld [smem:$0x3F97];
	_ =	swait.ge [sflag:s4], $0x0  }
0x19: {  	s7 =	sld [smem:$0x3F98]  }
0x1a: {  	s8 =	sadd.s32 $0xFFFFE003, lr  }
0x1b: {  	s9 =	sadd.s32 $0xFFFFFEF7, lr;
	s5 =	simm.s32 $0xFFFFFFFF;
	p2 =	slt.u32 s8, $0xFFFFF086  }
0x1c: {  	p1 =	slt.u32 s9, $0xF7A;
	s5 =	simm.s32 @!p2 $0x0  }
0x1d: {  	s5 =	simm.s32 @p1 $0x1;
	p0 =	seq.s32 s7, s2  }
0x1e: {  	s7 =	smul.u32 @!p0 $0xF7A, s2;
	p2 =	seq.s32 @!p0 s5, $0x0  }
0x1f: {  	s9 =	smul.u32 $0xF7A, s1;
	s8 =	simm.s32 @!p0 $0x1BF5;
	p2 =	por !p2, p0  }
0x20: {  	[sflag:s8] =	ssyncset.s32 @!p0 $0xFFFFF086;
	s6 =	sadd.s32 @!p0 s3, s7;
	s7 =	simm.s32 @!p0 $0x108  }
0x21: {  	s3 =	sadd.s32 s3, s9;
	s6 =	sadd.s32 @!p0 $0x88, s6;
	s7 =	simm.s32 @p2 $0x1082  }
0x22: {  	[simem:s7], [sflag:s8] =	dma.local @!p0 [hbm:s6], $0xF7A  }
0x23: {  	s9 =	sor.u32 $0xD0000000, s2;
	s6 =	simm.s32 $0x108;
	_ =	swait.ge @!p0 [sflag:s8], $0x0  }
0x24: {  	s3 =	sadd.s32 $0x88, s3;
	s6 =	simm.s32 @!p1 $0x1082;
	[sflag:s4] =	ssyncset.s32 $0xFFFFF086  }
0x25: {  	[simem:s6], [sflag:s4] =	dma.local [hbm:s3], $0xF7A  }
0x26: {  	[smem:$0x3F98] =	sst s1;
	(tag) =	ssettag s2;
	_ =	strace s9  }
0x27: {  	s1 =	sld [smem:$0x3FA8]  }
0x28: {  	s2 =	sld [smem:$0x3FA9]  }
0x29: {  	s4 =	sld [smem:$0x3FAB]  }
0x2a: {  	p0 =	seq.s32 s5, $0x0;
	s5 =	sld [smem:$0x3FAC]  }
0x2b: {  	s6 =	sld [smem:$0x3FAD]  }
0x2c: {  	s7 =	sld [smem:$0x3FAE]  }
0x2d: {  	s3 =	simm.s32 $0x108;
	s8 =	sld [smem:$0x3FAF]  }
0x2e: {  	s3 =	simm.s32 @!p0 $0x1082;
	s9 =	sld [smem:$0x3FB0]  }
0x2f: {  	lr =	sadd.s32 s0, s3;
	s0 =	sld [smem:$0x3FA7]  }
0x30: {  	s3 =	sld [smem:$0x3FAA]  }
0x31: {  	[smem:$0x3FB3] =	sst s10  }
0x32: {  	s10 =	sld [smem:$0x3FB1];
	_ =	sdelay $0x3  }
0x33: {  	p0 =	seq.s32 s10, $0x1;
	s10 =	sld [smem:$0x3FB3];
	_ =	sdelay $0x3  }
0x34: {  	[smem:$0x3FB3] =	sst s10  }
0x35: {  	s10 =	sld [smem:$0x3FB2];
	_ =	sdelay $0x3  }
0x36: {  	p1 =	seq.s32 s10, $0x1;
	s10 =	sld [smem:$0x3FB3];
	_ =	sdelay $0x3  }
0x37: {  	[smem:$0x3FB3] =	sst s10  }
0x38: {  	s10 =	sld [smem:$0x3FB4]  }
0x39: {  	_ = 	snop;
	(pc) =	sbr.ind lr, $3  }
0x3a: {  	_ = 	snop  }
0x3b: {  	_ = 	snop  }
0x3c: {  	p2 =	seq.s32 s10, $0x1;
	s10 =	sld [smem:$0x3FB3]  }
0x3d: {  	_ =	shalt  }
0x3e: {  	_ =	shalt  }
0x3f: {  	_ =	shalt  }
0x40: {  	_ =	shalt  }
0x41: {  	_ =	shalt  }
0x42: {  	_ =	shalt  }
0x43: {  	_ =	shalt  }
0x44: {  	_ =	shalt  }
0x45: {  	_ =	shalt  }
0x46: {  	_ =	shalt  }
0x47: {  	_ =	shalt  }
0x48: {  	_ =	shalt  }
0x49: {  	_ =	shalt  }
0x4a: {  	_ =	shalt  }
0x4b: {  	_ =	shalt  }
0x4c: {  	_ =	shalt  }
0x4d: {  	_ =	shalt  }
0x4e: {  	_ =	shalt  }
0x4f: {  	_ =	shalt  }
0x50: {  	_ =	shalt  }
0x51: {  	_ =	shalt  }
0x52: {  	_ =	shalt  }
0x53: {  	_ =	shalt  }
0x54: {  	_ =	shalt  }
0x55: {  	_ =	shalt  }
0x56: {  	_ =	shalt  }
0x57: {  	_ =	shalt  }
0x58: {  	_ =	shalt  }
0x59: {  	_ =	shalt  }
0x5a: {  	_ =	shalt  }
0x5b: {  	_ =	shalt  }
0x5c: {  	_ =	shalt  }
0x5d: {  	_ =	shalt  }
0x5e: {  	_ =	shalt  }
0x5f: {  	_ =	shalt  }
0x60: {  	_ =	shalt  }
0x61: {  	_ =	shalt  }
0x62: {  	_ =	shalt  }
0x63: {  	_ =	shalt  }
0x64: {  	_ =	shalt  }
0x65: {  	_ =	shalt  }
0x66: {  	_ =	shalt  }
0x67: {  	_ =	shalt  }
0x68: {  	_ =	shalt  }
0x69: {  	_ =	shalt  }
0x6a: {  	_ =	shalt  }
0x6b: {  	_ =	shalt  }
0x6c: {  	_ =	shalt  }
0x6d: {  	_ =	shalt  }
0x6e: {  	_ =	shalt  }
0x6f: {  	_ =	shalt  }
0x70: {  	_ =	shalt  }
0x71: {  	_ =	shalt  }
0x72: {  	_ =	shalt  }
0x73: {  	_ =	shalt  }
0x74: {  	_ =	shalt  }
0x75: {  	_ =	shalt  }
0x76: {  	_ =	shalt  }
0x77: {  	_ =	shalt  }
0x78: {  	_ =	shalt  }
0x79: {  	_ =	shalt  }
0x7a: {  	_ =	shalt  }
0x7b: {  	_ =	shalt  }
0x7c: {  	_ =	shalt  }
0x7d: {  	_ =	shalt  }
0x7e: {  	_ =	shalt  }
0x7f: {  	_ =	shalt  }
0x80: {  	_ =	shalt  }
0x81: {  	_ =	shalt  }
0x82: {  	_ =	shalt  }
0x83: {  	_ =	shalt  }
0x84: {  	_ =	shalt  }
0x85: {  	_ =	shalt  }
0x86: {  	_ =	shalt  }
0x87: {  	_ =	shalt  }
.Lfunc_end0:
.L_simem_size_0:
called_computation_lowered:
.L_overlay_start_0:
0x88: {  	s2 =	sld [smem:$0x3FD9]  }
0x89: {  	s3 =	sld [smem:$0x3FFE];
	_ =	sdelay $0x1  }
0x8a: {  	s1 =	srdreg.scid  }
0x8b: {  	s0 =	sand.u32 $0x1, s1  }
0x8c: {  	s17 =	sshll.u32 s0, $0xA;
	s2 =	sadd.s32 s3, s2  }
0x8d: {  	s2 =	sadd.s32 s2, s17  }
0x8e: {  	[smem:$0x3FBF] =	sst s2  }
0x8f: {  	_ = 	snop  }
0x90: {  	s2 =	sld [smem:$0x3FC5]  }
0x91: {  	s18 =	sld [smem:$0x3FC4]  }
0x92: {  	s4 =	sld [smem:$0x3FD0];
	(tm) =	ssettm $0x1  }
0x93: {  	s5 =	sld [smem:$0x3FFB];
	_ =	sdelay $0x3  }
0x94: {  	_ =	strace s5  }
0x95: {  	s5 =	sld [smem:$0x3FFC];
	_ =	sdelay $0x3  }
0x96: {  	_ =	strace s5  }
0x97: {  	s5 =	sld [smem:$0x3FFD];
	_ =	sdelay $0x3  }
0x98: {  	_ =	strace s5  }
0x99: {  	_ =	strace $0x8FFFFFFF  }
0x9a: {  	s19 =	sld [smem:$0x3FDB];
	_ =	sdelay $0x1  }
0x9b: {  	s6 =	simm.s32 $_scs_section_size  }
0x9c: {  	s7 =	simm.s32 $_size__tile_overlayer_lowered;
	s8 =	simm.s32 $_tile_overlayer_lowered  }
0x9d: {  	s22 =	simm.s32 $0x1BFF;
	s21 =	sshll.u32 s8, $0x1;
	s5 =	sadd.s32 s6, s19  }
0x9e: {  	s9 =	simm.s32 $0x0;
	s20 =	sshll.u32 s7, $0x1;
	s7 =	sadd.s32 s21, s5  }
0x9f: {  	[timem:s9], [sflag:s22] =	dma.local [hbm:s7], s20  }
0xa0: {  	_ =	swait.ge [sflag:s22], s20  }
0xa1: {  	s6 =	ssub.s32 $0x0, s20;
	[sflag:s22] =	ssyncset.done $0x0  }
0xa2: {  	[sflag:s22] =	ssyncadd.s32 s6;
	_ =	sdelay $0x1  }
0xa3: {  	s23 =	simm.s32 $0x1B8B  }
0xa4: {  	_ =	swait.ge [sflag:s23], $0x1  }
0xa5: {  	[sflag:s23] =	ssyncset.done $0x0  }
0xa6: {  	s25 =	simm.s32 $0x1B8E;
	s24 =	sld [smem:$0x3FFE];
	[sflag:s23] =	ssyncadd.s32 $0xFFFFFFFF  }
0xa7: {  	s26 =	simm.s32 $execute0_lowered;
	[smem:$0x3FD2] =	sst s25  }
0xa8: {  	s7 =	sshll.u32 s26, $0x1;
	_ =	strace $0x80000046;
	[dreg:$0x1] =	wrdreg $0xFFFFFFFF  }
0xa9: {  	s28 =	simm.s32 $_size_execute0_lowered;
	s5 =	sadd.s32 s5, s7;
	[dreg:$0x0] =	wrdreg $0x0  }
0xaa: {  	s7 =	sshll.u32 s28, $0x1;
	[dreg:$0x2] =	wrdreg s5  }
0xab: {  	[dreg:$0x3] =	wrdreg s7  }
0xac: {  	[dreg:$0x4] =	wrdreg $0xC0  }
0xad: {  	_ =	task [dreg:s9], $0x5FFFF  }
0xae: {  	[dreg:$0x1] =	wrdreg $0xFFFFFFFF  }
0xaf: {  	[dreg:$0x0] =	wrdreg $0x60  }
0xb0: {  	[dreg:$0x2] =	wrdreg s2  }
0xb1: {  	[dreg:$0x3] =	wrdreg s18  }
0xb2: {  	[dreg:$0x4] =	wrdreg s24  }
0xb3: {  	[dreg:$0x5] =	wrdreg s4  }
0xb4: {  	[dreg:$0x6] =	wrdreg $0x9  }
0xb5: {  	_ =	task.clear_ibuf [dreg:s9], $0x7FFFF;
	_ =	strace $0x90000046  }
0xb6: {  	s29 =	simm.s32 $0x9;
	_ =	strace $0x80000048  }
0xb7: {  	_ =	swait.ge [sflag:s29], $0x1  }
0xb8: {  	[sflag:s29] =	ssyncadd.s32 $0xFFFFFFFF  }
0xb9: {  	_ =	strace $0x90000048  }
0xba: {  	_ =	sfence  }
0xbb: {  	s30 =	sld [smem:$0x0];
	_ =	sdelay $0x2  }
0xbc: {  	s31 =	sshll.u32 s1, $0xD;
	s1 =	sshrl.u32 s1, $0x2  }
0xbd: {  	s3 =	sand.u32 $0x4000, s31;
	s1 =	sadd.s32 s1, s30  }
0xbe: {  	s0 =	sor.u32 s3, s0;
	s1 =	sshll.u32 s1, $0x11  }
0xbf: {  	s0 =	sor.u32 s1, s0  }
0xc0: {  	s0 =	sadd.s32 $0x8F2B, s0  }
0xc1: {  	[sflag:s0] =	ssyncadd.remote.s32 $0x1  }
0xc2: {  	_ =	sfence.sel $0xFFFF  }
0xc3: {  	[dreg:$0x0] =	wrdreg $0xFFFFFFFF;
	(pc) =	sbr.abs _section_cstart, $3  }
0xc4: {  	[dreg:$0x1] =	wrdreg $0xFFFFFFFF  }
0xc5: {  	_ =	task.clear_ibuf [dreg:s9], $0x2FFFF;
	_ =	strace $0x9FFFFFFF  }
0xc6: {  	(tm) =	ssettm $0x7FFFFFFF  }
0xc7: {  	_ =	shalt  }
tec
execute0_lowered:
.L_overlay_start_1:
0x0: {  	(tag) =	ssettag $0x1  }
0x1: {  	s5 =	rddreg [dreg:$0x0]  }
0x2: {  	s6 =	rddreg [dreg:$0x1]  }
0x3: {  	s4 =	rddreg [dreg:$0x2]  }
0x4: {  	s7 =	rddreg [dreg:$0x3]  }
0x5: {  	s0 =	rddreg [dreg:$0x4]  }
0x6: {  	s2 =	simm.s32 $0x0;
	s3 =	srdreg.scid;
	s1 =	stileid.u32  }
0x7: {  	s12 =	simm.s32 $0x400;
	s13 =	simm.s32 $0x600;
	s14 =	simm.s32 $0x480  }
0x8: {  	s15 =	simm.s32 $0x280;
	s16 =	simm.s32 $0x680;
	s17 =	simm.s32 $0x100  }
0x9: {  	s18 =	simm.s32 $0x500;
	s19 =	simm.s32 $0x300;
	s20 =	simm.s32 $0x700  }
0xa: {  	s21 =	simm.s32 $0x180;
	s22 =	simm.s32 $0x580;
	s23 =	simm.s32 $0x380  }
0xb: {  	s24 =	simm.s32 $0x780;
	s25 =	simm.s32 $0x1;
	s26 =	simm.s32 $0x2  }
0xc: {  	[smem:$0x7FF] =	sst s2;
	s3 =	sand.u32 $0x1, s3;
	s9 =	sshll.u32 s1, $0x7  }
0xd: {  	_ =	strace $0x80000047;
	s8 =	ssub.s32 $0x2, s3;
	s10 =	sshll.u32 s3, $0x6  }
0xe: {  	s3 =	sadd.s32 $0x20200, s4;
	s4 =	sadd.s32 $0x1800, s4;
	s11 =	sshrl.u32 s8, $0x1  }
0xf: {  	s9 =	sor.u32 s10, s9;
	s10 =	simm.s32 $0x200;
	s8 =	ssub.s32 s8, s11  }
0x10: {  	s5 =	sadd.s32 s5, s9;
	s6 =	sadd.s32 s6, s9;
	s7 =	sadd.s32 s7, s9  }
0x11: {  	s9 =	simm.s32 $0x3;
	s11 =	simm.s32 $0x80;
	s8 =	smax.u32 s8, $0x1  }
.LBB2_1:
0x12: {  	[tilespmem:s2], [sflag:$0x3] =	stream.linear.gather [hbm4b:s5+s2], $0x200, $0x38;
	[tilespmem:$0x800] =	vst v63  }
0x13: {  	_ =	swait.ge [sflag:s9], $0x200  }
0x14: {  	[sflag:s9] =	ssyncset.done $0x0  }
0x15: {  	[sflag:s9] =	ssyncadd.s32 $0xFFFFFE00  }
0x16: {  	[tilespmem:s10], [sflag:$0x3] =	stream.linear.gather [hbm4b:s6+s2], $0x200, $0x38;
	[tilespmem:$0x800] =	vst v63  }
0x17: {  	_ =	swait.ge [sflag:s9], $0x200  }
0x18: {  	[sflag:s9] =	ssyncset.done $0x0  }
0x19: {  	[sflag:s9] =	ssyncadd.s32 $0xFFFFFE00  }
0x1a: {  	[tilespmem:s12], [sflag:$0x1] =	stream.indirect.gather [hbm4b:s3+s11], $0x1, s2, s11, $0xb8;
	[tilespmem:$0x800] =	vst v63  }
0x1b: {  	_ = 	snop  }
0x1c: {  	[tilespmem:s13], [sflag:$0x2] =	stream.indirect.gather [hbm4b:s4+s11], $0x1, s10, s11, $0xb8;
	[tilespmem:$0x800] =	vst v63  }
0x1d: {  	_ = 	snop  }
0x1e: {  	[tilespmem:s14], [sflag:$0x1] =	stream.indirect.gather [hbm4b:s3+s11], $0x1, s11, s11, $0xb8;
	[tilespmem:$0x800] =	vst v63  }
0x1f: {  	_ = 	snop  }
0x20: {  	[tilespmem:s16], [sflag:$0x2] =	stream.indirect.gather [hbm4b:s4+s11], $0x1, s15, s11, $0xb8;
	[tilespmem:$0x800] =	vst v63  }
0x21: {  	_ = 	snop  }
0x22: {  	[tilespmem:s18], [sflag:$0x1] =	stream.indirect.gather [hbm4b:s3+s11], $0x1, s17, s11, $0xb8;
	[tilespmem:$0x800] =	vst v63  }
0x23: {  	_ = 	snop  }
0x24: {  	[tilespmem:s20], [sflag:$0x2] =	stream.indirect.gather [hbm4b:s4+s11], $0x1, s19, s11, $0xb8;
	[tilespmem:$0x800] =	vst v63  }
0x25: {  	_ = 	snop  }
0x26: {  	[tilespmem:s22], [sflag:$0x1] =	stream.indirect.gather [hbm4b:s3+s11], $0x1, s21, s11, $0xb8;
	[tilespmem:$0x800] =	vst v63  }
0x27: {  	_ = 	snop  }
0x28: {  	[tilespmem:s24], [sflag:$0x2] =	stream.indirect.gather [hbm4b:s4+s11], $0x1, s23, s11, $0xb8;
	[tilespmem:$0x800] =	vst v63  }
0x29: {  	_ =	swait.ge [sflag:s25], $0x80  }
0x2a: {  	[sflag:s25] =	ssyncset.done $0x0  }
0x2b: {  	[sflag:s25] =	ssyncadd.s32 $0xFFFFFF80  }
0x2c: {  	_ =	swait.ge [sflag:s26], $0x80  }
0x2d: {  	[sflag:s26] =	ssyncset.done $0x0  }
0x2e: {  	[sflag:s26] =	ssyncadd.s32 $0xFFFFFF80  }
0x2f: {  	_ =	swait.ge [sflag:s25], $0x80  }
0x30: {  	[sflag:s25] =	ssyncset.done $0x0  }
0x31: {  	[sflag:s25] =	ssyncadd.s32 $0xFFFFFF80  }
0x32: {  	_ =	swait.ge [sflag:s26], $0x80  }
0x33: {  	[sflag:s26] =	ssyncset.done $0x0  }
0x34: {  	[sflag:s26] =	ssyncadd.s32 $0xFFFFFF80  }
0x35: {  	_ =	swait.ge [sflag:s25], $0x80  }
0x36: {  	[sflag:s25] =	ssyncset.done $0x0  }
0x37: {  	[sflag:s25] =	ssyncadd.s32 $0xFFFFFF80  }
0x38: {  	_ =	swait.ge [sflag:s26], $0x80  }
0x39: {  	[sflag:s26] =	ssyncset.done $0x0  }
0x3a: {  	[sflag:s26] =	ssyncadd.s32 $0xFFFFFF80  }
0x3b: {  	_ =	swait.ge [sflag:s25], $0x80  }
0x3c: {  	[sflag:s25] =	ssyncset.done $0x0  }
0x3d: {  	[sflag:s25] =	ssyncadd.s32 $0xFFFFFF80  }
0x3e: {  	_ =	swait.ge [sflag:s26], $0x80  }
0x3f: {  	[sflag:s26] =	ssyncset.done $0x0  }
0x40: {  	[sflag:s26] =	ssyncadd.s32 $0xFFFFFF80  }
0x41: {  	v0 =	vld [tilespmem:$0x400]  }
0x42: {  	v1 =	vld [tilespmem:$0x600]  }
0x43: {  	v2 =	vld [tilespmem:$0x410]  }
0x44: {  	v3 =	vld [tilespmem:$0x610]  }
0x45: {  	v4 =	vld [tilespmem:$0x420]  }
0x46: {  	v5 =	vld [tilespmem:$0x620]  }
0x47: {  	v6 =	vld [tilespmem:$0x430]  }
0x48: {  	v7 =	vld [tilespmem:$0x630]  }
0x49: {  	v8 =	vld [tilespmem:$0x440]  }
0x4a: {  	v9 =	vld [tilespmem:$0x640]  }
0x4b: {  	v10 =	vld [tilespmem:$0x450]  }
0x4c: {  	v11 =	vld [tilespmem:$0x650]  }
0x4d: {  	v12 =	vld [tilespmem:$0x460]  }
0x4e: {  	v13 =	vld [tilespmem:$0x660]  }
0x4f: {  	v14 =	vld [tilespmem:$0x470]  }
0x50: {  	v15 =	vld [tilespmem:$0x670]  }
0x51: {  	v16 =	vld [tilespmem:$0x480]  }
0x52: {  	v17 =	vld [tilespmem:$0x680]  }
0x53: {  	v18 =	vld [tilespmem:$0x490]  }
0x54: {  	v19 =	vld [tilespmem:$0x690]  }
0x55: {  	v20 =	vld [tilespmem:$0x4A0]  }
0x56: {  	v21 =	vld [tilespmem:$0x6A0]  }
0x57: {  	v22 =	vld [tilespmem:$0x4B0]  }
0x58: {  	v23 =	vld [tilespmem:$0x6B0]  }
0x59: {  	v24 =	vld [tilespmem:$0x4C0]  }
0x5a: {  	v25 =	vld [tilespmem:$0x6C0]  }
0x5b: {  	v26 =	vld [tilespmem:$0x4D0]  }
0x5c: {  	v27 =	vld [tilespmem:$0x6D0]  }
0x5d: {  	v28 =	vld [tilespmem:$0x4E0]  }
0x5e: {  	v29 =	vld [tilespmem:$0x6E0]  }
0x5f: {  	v30 =	vld [tilespmem:$0x4F0]  }
0x60: {  	v31 =	vld [tilespmem:$0x6F0]  }
0x61: {  	v32 =	vld [tilespmem:$0x500]  }
0x62: {  	v33 =	vld [tilespmem:$0x700]  }
0x63: {  	v34 =	vld [tilespmem:$0x510]  }
0x64: {  	v35 =	vld [tilespmem:$0x710]  }
0x65: {  	v36 =	vld [tilespmem:$0x520]  }
0x66: {  	v46 =	vld [tilespmem:$0x720];
	v0 =	vadd.f32 v1, v0  }
0x67: {  	v47 =	vld [tilespmem:$0x530];
	v2 =	vadd.f32 v3, v2  }
0x68: {  	v49 =	vld [tilespmem:$0x730];
	v48 =	vadd.f32 v5, v4;
	[tilespmem:$0x400] =	vst v0  }
0x69: {  	v51 =	vld [tilespmem:$0x540];
	v50 =	vadd.f32 v7, v6;
	[tilespmem:$0x410] =	vst v2  }
0x6a: {  	v53 =	vld [tilespmem:$0x740];
	v52 =	vadd.f32 v9, v8;
	[tilespmem:$0x420] =	vst v48  }
0x6b: {  	v55 =	vld [tilespmem:$0x550];
	v54 =	vadd.f32 v11, v10;
	[tilespmem:$0x430] =	vst v50  }
0x6c: {  	v57 =	vld [tilespmem:$0x750];
	v56 =	vadd.f32 v13, v12;
	[tilespmem:$0x440] =	vst v52  }
0x6d: {  	v59 =	vld [tilespmem:$0x560];
	v58 =	vadd.f32 v15, v14;
	[tilespmem:$0x450] =	vst v54  }
0x6e: {  	v61 =	vld [tilespmem:$0x760];
	v60 =	vadd.f32 v17, v16;
	[tilespmem:$0x460] =	vst v56  }
0x6f: {  	v63 =	vld [tilespmem:$0x570];
	v62 =	vadd.f32 v19, v18;
	[tilespmem:$0x470] =	vst v58  }
0x70: {  	v37 =	vld [tilespmem:$0x5A0];
	v20 =	vadd.f32 v21, v20;
	[tilespmem:$0x480] =	vst v60  }
0x71: {  	v39 =	vld [tilespmem:$0x7A0];
	v22 =	vadd.f32 v23, v22;
	[tilespmem:$0x490] =	vst v62  }
0x72: {  	v41 =	vld [tilespmem:$0x5B0];
	v24 =	vadd.f32 v25, v24;
	[tilespmem:$0x4A0] =	vst v20  }
0x73: {  	v43 =	vld [tilespmem:$0x7B0];
	v26 =	vadd.f32 v27, v26;
	[tilespmem:$0x4B0] =	vst v22  }
0x74: {  	v45 =	vld [tilespmem:$0x5C0];
	v28 =	vadd.f32 v29, v28;
	[tilespmem:$0x4C0] =	vst v24  }
0x75: {  	v21 =	vld [tilespmem:$0x770];
	v31 =	vadd.f32 v31, v30;
	[tilespmem:$0x4D0] =	vst v26  }
0x76: {  	v23 =	vld [tilespmem:$0x580];
	v38 =	vadd.f32 v33, v32;
	[tilespmem:$0x4E0] =	vst v28  }
0x77: {  	v25 =	vld [tilespmem:$0x780];
	v40 =	vadd.f32 v35, v34;
	[tilespmem:$0x4F0] =	vst v31  }
0x78: {  	v27 =	vld [tilespmem:$0x590];
	v42 =	vadd.f32 v46, v36;
	[tilespmem:$0x500] =	vst v38  }
0x79: {  	v29 =	vld [tilespmem:$0x790];
	v44 =	vadd.f32 v49, v47;
	[tilespmem:$0x510] =	vst v40  }
0x7a: {  	v46 =	vadd.f32 v53, v51;
	v47 =	vld [tilespmem:$0x7C0];
	[tilespmem:$0x520] =	vst v42  }
0x7b: {  	v49 =	vld [tilespmem:$0x5D0];
	v1 =	vadd.f32 v43, v41;
	[tilespmem:$0x530] =	vst v44  }
0x7c: {  	v51 =	vld [tilespmem:$0x7D0];
	v48 =	vadd.f32 v57, v55;
	[tilespmem:$0x540] =	vst v46  }
0x7d: {  	v53 =	vld [tilespmem:$0x5E0];
	v50 =	vadd.f32 v61, v59;
	[tilespmem:$0x5B0] =	vst v1  }
0x7e: {  	v55 =	vld [tilespmem:$0x7E0];
	v58 =	vadd.f32 v39, v37;
	[tilespmem:$0x550] =	vst v48  }
0x7f: {  	v57 =	vld [tilespmem:$0x5F0];
	[tilespmem:$0x560] =	vst v50;
	v52 =	vadd.f32 v21, v63  }
0x80: {  	v59 =	vld [tilespmem:$0x7F0];
	[tilespmem:$0x5A0] =	vst v58;
	v54 =	vadd.f32 v25, v23  }
0x81: {  	v56 =	vadd.f32 v29, v27;
	[tilespmem:$0x570] =	vst v52  }
0x82: {  	v60 =	vadd.f32 v47, v45;
	[tilespmem:$0x580] =	vst v54  }
0x83: {  	v61 =	vadd.f32 v51, v49;
	[tilespmem:$0x590] =	vst v56  }
0x84: {  	[tilespmem:$0x5C0] =	vst v60;
	v62 =	vadd.f32 v55, v53  }
0x85: {  	[tilespmem:$0x5D0] =	vst v61;
	v63 =	vadd.f32 v59, v57  }
0x86: {  	p0 =	sne.s32 s8, $0x1;
	[tilespmem:$0x5E0] =	vst v62  }
.Ltmp0:
0x87: {  	[tilespmem:$0x5F0] =	vst v63;
	(pc) =	sbr.rel @p0 .LBB2_1-.Ltmp0, $4  }
0x88: {  	[hbm4b:s7+s2] =	stream.linear.scatter [tilespmem:s12], [sflag:$0x3], $0x200, $0x38;
	[tilespmem:$0x800] =	vst v63  }
0x89: {  	_ =	swait.ge [sflag:s9], $0x200  }
0x8a: {  	[sflag:s9] =	ssyncset.done $0x0  }
0x8b: {  	s8 =	sadd.s32 $0xFFFFFFFF, s8;
	[sflag:s9] =	ssyncadd.s32 $0xFFFFFE00  }
0x8c: {  	_ =	sfence.sel $0x180000  }
0x8d: {  	[bflag:$0x0] =	sbarrier.arrive $0xFFFF  }
0x8e: {  	p0 =	sne.s32 s1, $0x0;
	_ =	strace $0x90000047  }
0x8f: {  	s0 =	sadd.s32 @!p0 $0x100000, s0;
	[bflag:$0x2] =	sbarrier.arrive $0xFFFF  }
0x90: {  	[sflag:s0] =	ssyncadd.tile.s32 @!p0 $0x1;
	_ =	shalt  }
.Lfunc_end2:
_tile_overlayer_lowered:
.L_overlay_start_2:
0x91: {  	(tag) =	ssettag $0x2  }
0x92: {  	s0 =	rddreg [dreg:$0x0];
	s2 =	stileid.u32  }
0x93: {  	s1 =	rddreg [dreg:$0x1];
	p0 =	sne.s32 s2, $0x0  }
0x94: {  	s3 =	rddreg [dreg:$0x2];
	[bflag:$0x3] =	sbarrier.arrive $0xFFFF;
	s2 =	simm.s32 @!p0 $0x1C03  }
0x95: {  	[timem:s3], [sflag:s2] =	dma.local @!p0 [hbm:s0], s1  }
0x96: {  	s0 =	simm.s32 @!p0 $0x3  }
0x97: {  	_ =	swait.ge @!p0 [sflag:s0], s1  }
0x98: {  	s1 =	ssub.s32 @!p0 $0x0, s1;
	[sflag:s0] =	ssyncset.done @!p0 $0x0  }
0x99: {  	[sflag:s0] =	ssyncadd.s32 @!p0 s1  }
0x9a: {  	[bflag:$0x3] =	sbarrier.arrive $0xFFFF  }
0x9b: {  	_ =	shalt  }

</sc_bundles>
